<compile_context>
chip_gen: v7x
topology: tpu7x:2x2x1
jax: 0.10.2.dev20260603
libtpu: 0.0.44.dev20260713+nightly
codegen_flags: <defaults>
</compile_context>

<pallas_src>
import functools

import jax
import jax.numpy as jnp
from jax import lax
from jax.experimental import pallas as pl
from jax.experimental.pallas import tpu as pltpu
from jax.experimental.pallas import tpu_sc as plsc

N = 10000
E = 320000
D = 128
NC, NS = 2, 16
K = 128
TCH = E // K
T0 = 14 * 78 + 2 * 80
NR = 10240
RPS = NR // NS
ZR = 64


def _neg_log_table(x):
    def body(x_ref, o_ref):
        o_ref[...] = -jnp.log(x_ref[...])
    return pl.pallas_call(
        body, out_shape=jax.ShapeDtypeStruct((N, D), jnp.float32))(x)


def _combine(x, part, degp):
    def body(x_ref, p_ref, d_ref, o_ref):
        s = p_ref[0] + p_ref[1]
        deg = (d_ref[0] + d_ref[1])[0:N, :].sum(axis=1)
        num = (x_ref[...] * s[0:N, :]).sum(axis=1)
        o_ref[...] = jnp.where(deg > 0, num / deg, 0.0)[:, None]
    return pl.pallas_call(
        body, out_shape=jax.ShapeDtypeStruct((N, 1), jnp.float32))(
            x, part, degp)


def _make_sc_scatter():
    mesh = plsc.VectorSubcoreMesh(core_axis_name="c", subcore_axis_name="s")

    @functools.partial(
        pl.kernel,
        out_type=(jax.ShapeDtypeStruct((NC, NR, D), jnp.float32),
                  jax.ShapeDtypeStruct((NC, NR, 16), jnp.float32)),
        mesh=mesh,
        compiler_params=pltpu.CompilerParams(use_tc_tiling_on_sc=False),
        scratch_types=[
            pltpu.VMEM((K,), jnp.int32),
            pltpu.VMEM((K,), jnp.int32),
            pltpu.VMEM((K,), jnp.int32),
            pltpu.VMEM((K,), jnp.int32),
            pltpu.VMEM((K, D), jnp.float32),
            pltpu.VMEM((K, D), jnp.float32),
            pltpu.VMEM((K, 16), jnp.float32),
            pltpu.VMEM_SHARED((NR, D), jnp.float32),
            pltpu.VMEM_SHARED((NR, 16), jnp.float32),
            pltpu.SemaphoreType.DMA,
            pltpu.SemaphoreType.DMA,
            pltpu.SemaphoreType.DMA,
            pltpu.SemaphoreType.DMA,
        ],
    )
    def sc_scatter(ei_hbm, lp_hbm, part_hbm, deg_hbm,
                   src0, src1, dst0, dst1, rows0, rows1, ones_v, acc_sh,
                   deg_sh, semi0, semi1, semg0, semg1):
        cid = lax.axis_index("c")
        sid = lax.axis_index("s")
        cnt = jnp.where(cid == 0, jnp.where(sid >= 14, 80, 78), 78)
        base = jnp.where(cid == 0,
                         78 * sid + 2 * jnp.maximum(sid - 14, 0),
                         T0 + 78 * sid)
        srcb = (src0, src1)
        dstb = (dst0, dst1)
        rows = (rows0, rows1)
        semi = (semi0, semi1)
        semg = (semg0, semg1)
        zeros16 = jnp.zeros((16,), jnp.float32)
        ones16 = jnp.ones((16,), jnp.float32)

        one0 = jnp.where(lax.iota(jnp.int32, 16) == 0, 1.0, 0.0)

        def fones(r, carry):
            ones_v[r, pl.ds(0, 16)] = one0
            return carry
        lax.fori_loop(0, K, fones, 0)

        def zrow(r, carry):
            for c9 in range(D // 16):
                rows0[r, pl.ds(c9 * 16, 16)] = zeros16
            return carry
        lax.fori_loop(0, ZR, zrow, 0)

        def zcp(i, carry):
            pltpu.sync_copy(rows0.at[pl.ds(0, ZR)],
                            acc_sh.at[pl.ds(sid * RPS + i * ZR, ZR)])
            return carry
        lax.fori_loop(0, RPS // ZR, zcp, 0)

        def zcpd(i, carry):
            pltpu.sync_copy(rows0.at[pl.ds(0, ZR), pl.ds(0, 16)],
                            deg_sh.at[pl.ds(sid * RPS + i * ZR, ZR)])
            return carry
        lax.fori_loop(0, RPS // ZR, zcpd, 0)
        plsc.subcore_barrier()

        def start_idx(c, b):
            off = (base + c) * K
            pltpu.async_copy(ei_hbm.at[pl.ds(off, K)], srcb[b], semi[b])
            pltpu.async_copy(ei_hbm.at[pl.ds(E + off, K)], dstb[b], semi[b])

        def wait_idx(b):
            pltpu.make_async_copy(ei_hbm.at[pl.ds(0, K)], srcb[b],
                                  semi[b]).wait()
            pltpu.make_async_copy(ei_hbm.at[pl.ds(0, K)], dstb[b],
                                  semi[b]).wait()

        def start_gather(b):
            pltpu.async_copy(lp_hbm.at[srcb[b]], rows[b], semg[b])

        def wait_gather(b):
            pltpu.make_async_copy(lp_hbm.at[srcb[b]], rows[b],
                                  semg[b]).wait()

        def scatter(b):
            pltpu.sync_copy(rows[b], acc_sh.at[dstb[b]], add=True)

        def scatter_deg(b):
            pltpu.sync_copy(ones_v, deg_sh.at[dstb[b]], add=True)

        start_idx(0, 0)
        start_idx(1, 1)
        wait_idx(0)
        start_gather(0)

        def pair(g, carry):
            for b in (0, 1):
                c = 2 * g + b
                nb = 1 - b
                wait_gather(b)
                wait_idx(nb)
                start_gather(nb)
                scatter(b)
                scatter_deg(b)
                start_idx(c + 2, b)
            return carry
        lax.fori_loop(0, cnt // 2 - 1, pair, 0)

        wait_gather(0)
        wait_idx(1)
        start_gather(1)
        scatter(0)
        scatter_deg(0)
        wait_gather(1)
        scatter(1)
        scatter_deg(1)
        plsc.subcore_barrier()

        pltpu.sync_copy(acc_sh.at[pl.ds(sid * RPS, RPS)],
                        part_hbm.at[cid, pl.ds(sid * RPS, RPS)])
        pltpu.sync_copy(deg_sh.at[pl.ds(sid * RPS, RPS)],
                        deg_hbm.at[cid, pl.ds(sid * RPS, RPS)])

    return sc_scatter


_sc_scatter = _make_sc_scatter()


def kernel(x, edge_index):
    table = _neg_log_table(x)
    part, degp = _sc_scatter(edge_index.reshape(2 * E), table)
    return _combine(x, part, degp).reshape(N)

# --- scband reference (transcript-rebuilt; emitter-appended) ---
"""Pipeline reference for scband-entropy-conv-83288005804244 (READ-ONLY COPY).

The authoritative reference and input builder live on the scoring server;
editing this copy changes nothing except your own understanding.
"""

import jax, jax.numpy as jnp
import numpy as np

N_NODES = 10000
N_EDGES = 320000
D_FEAT = 128


def setup_inputs(seed: int = 0) -> dict:
    key = jax.random.key(seed)
    k1, k2 = jax.random.split(key)
    # Node features must be strictly positive (log is applied); uniform in (0, 1]
    x = jax.random.uniform(k1, (N_NODES, D_FEAT), minval=1e-3, maxval=1.0, dtype=jnp.float32)
    edge_index = jax.random.randint(k2, (2, N_EDGES), 0, N_NODES, dtype=jnp.int32)
    return {"x": x, "edge_index": edge_index}


def reference(x, edge_index):
    # DGL update_all with entropy message + fn.mean('m', 'h_N')
    src = edge_index[0]
    dst = edge_index[1]
    # per-edge message: m_e = -(log(h_src) * h_dst).sum(1)  -> scalar per edge
    h_src = jnp.take(x, src, axis=0)
    h_dst = jnp.take(x, dst, axis=0)
    m = -(jnp.log(h_src) * h_dst).sum(axis=1)
    # mean-aggregate messages by destination node (zero for isolated nodes, like DGL)
    msg_sum = jax.ops.segment_sum(m, dst, num_segments=N_NODES)
    deg = jax.ops.segment_sum(jnp.ones_like(m), dst, num_segments=N_NODES)
    h_N = jnp.where(deg > 0, msg_sum / jnp.maximum(deg, 1.0), 0.0)
    return h_N

if __name__ == "__main__":
    import jax
    _d = setup_inputs()
    print(jax.jit(kernel)(*tuple(_d.values())))

</pallas_src>

<mosaic_0001>
#map = affine_map<(d0, d1) -> (0)>
#map1 = affine_map<(d0, d1) -> (0, 0)>
#map2 = affine_map<(d0, d1) -> (0, 0, 0)>
module attributes {stable_mosaic.version = 14 : i64} {
  func.func @sc_scatter(%arg0: i32, %arg1: i32, %arg2: memref<640000xi32, #tpu.memory_space<hbm>>, %arg3: memref<10000x128xf32, #tpu.memory_space<hbm>>, %arg4: memref<2x10240x128xf32, #tpu.memory_space<hbm>>, %arg5: memref<2x10240x16xf32, #tpu.memory_space<hbm>>, %arg6: memref<128xi32, #tpu.memory_space<vmem>>, %arg7: memref<128xi32, #tpu.memory_space<vmem>>, %arg8: memref<128xi32, #tpu.memory_space<vmem>>, %arg9: memref<128xi32, #tpu.memory_space<vmem>>, %arg10: memref<128x128xf32, #tpu.memory_space<vmem>>, %arg11: memref<128x128xf32, #tpu.memory_space<vmem>>, %arg12: memref<128x16xf32, #tpu.memory_space<vmem>>, %arg13: memref<10240x128xf32, #tpu.memory_space<vmem_shared>>, %arg14: memref<10240x16xf32, #tpu.memory_space<vmem_shared>>, %arg15: memref<!tpu.dma_semaphore, #tpu.memory_space<semaphore_mem>>, %arg16: memref<!tpu.dma_semaphore, #tpu.memory_space<semaphore_mem>>, %arg17: memref<!tpu.dma_semaphore, #tpu.memory_space<semaphore_mem>>, %arg18: memref<!tpu.dma_semaphore, #tpu.memory_space<semaphore_mem>>) attributes {dimension_semantics = [#tpu.dimension_semantics<core_parallel>, #tpu.dimension_semantics<subcore_parallel>], iteration_bounds = array<i64: 2, 16>, scalar_prefetch = 0 : i64, scratch_operands = 13 : i64, tpu.core_type = #tpu.core_type<sc_vector_subcore>, window_params = [{transform_indices = #map}, {transform_indices = #map1}, {transform_indices = #map2}, {transform_indices = #map2}]} {
    %eq3A = arith.constant 0 : i32
    %eq3A_0 = arith.cmpi eq, %arg0, %eq3A : i32
    %ge3A = arith.constant 14 : i32
    %ge3A_1 = arith.cmpi sge, %arg1, %ge3A : i32
    %jit3A = arith.constant 80 : i32
    %jit3A_2 = arith.constant 78 : i32
    %select_n3A = arith.select %ge3A_1, %jit3A, %jit3A_2 : i32
    %jit3A_3 = arith.constant 78 : i32
    %select_n3A_4 = arith.select %eq3A_0, %select_n3A, %jit3A_3 : i32
    %eq3A_5 = arith.constant 0 : i32
    %eq3A_6 = arith.cmpi eq, %arg0, %eq3A_5 : i32
    %mul3A = arith.constant 78 : i32
    %mul3A_7 = arith.muli %mul3A, %arg1 : i32
    %sub3A = arith.constant 14 : i32
    %sub3A_8 = arith.subi %arg1, %sub3A : i32
    %max3A = arith.constant 0 : i32
    %max3A_9 = arith.maxsi %sub3A_8, %max3A : i32
    %mul3A_10 = arith.constant 2 : i32
    %mul3A_11 = arith.muli %mul3A_10, %max3A_9 : i32
    %add3A = arith.addi %mul3A_7, %mul3A_11 : i32
    %mul3A_12 = arith.constant 78 : i32
    %mul3A_13 = arith.muli %mul3A_12, %arg1 : i32
    %add3A_14 = arith.constant 1252 : i32
    %add3A_15 = arith.addi %add3A_14, %mul3A_13 : i32
    %select_n3A_16 = arith.select %eq3A_6, %add3A, %add3A_15 : i32
    %broadcast_in_dim3A = arith.constant 0.000000e+00 : f32
    %broadcast_in_dim3A_17 = vector.broadcast %broadcast_in_dim3A : f32 to vector<16xf32>
    %broadcast_in_dim3A_18 = arith.constant 1.000000e+00 : f32
    %broadcast_in_dim3A_19 = vector.broadcast %broadcast_in_dim3A_18 : f32 to vector<16xf32>
    %iota3A = tpu.iota {dimensions = array<i32: 0>} : vector<16xi32>
    %eq3A_20 = arith.constant 0 : i32
    %eq3A_21 = vector.broadcast %eq3A_20 : i32 to vector<16xi32>
    %eq3A_22 = arith.cmpi eq, %iota3A, %eq3A_21 : vector<16xi32>
    %jit3A_23 = arith.constant 1.000000e+00 : f32
    %jit3A_24 = arith.constant 0.000000e+00 : f32
    %broadcast_in_dim3A_25 = vector.broadcast %jit3A_23 : f32 to vector<16xf32>
    %broadcast_in_dim3A_26 = vector.broadcast %jit3A_24 : f32 to vector<16xf32>
    %select_n3A_27 = arith.select %eq3A_22, %broadcast_in_dim3A_25, %broadcast_in_dim3A_26 : vector<16xi1>, vector<16xf32>
    %scan3A = arith.constant 0 : i32
    %scan3A_28 = arith.constant 0 : i32
    %scan3A_29 = arith.constant 128 : i32
    %scan3A_30 = arith.addi %scan3A_28, %scan3A_29 : i32
    %scan3A_31 = arith.constant 1 : i32
    scf.for %scan3A_136 = %scan3A_28 to %scan3A_30 step %scan3A_31  : i32 {
      %swap3A = arith.index_cast %scan3A_136 : i32 to index
      %swap3A_137 = arith.constant 0 : index
      %swap3A_138 = tpu.vector_load %arg12[%swap3A, %swap3A_137] {strides = array<i32>} : memref<128x16xf32, #tpu.memory_space<vmem>>, vector<1x16xf32>,
      %swap3A_139 = vector.shape_cast %swap3A_138 : vector<1x16xf32> to vector<16xf32>
      %swap3A_140 = vector.shape_cast %select_n3A_27 : vector<16xf32> to vector<1x16xf32>
      tpu.vector_store %arg12[%swap3A, %swap3A_137], %swap3A_140 {strides = array<i32>} : memref<128x16xf32, #tpu.memory_space<vmem>>, vector<1x16xf32>,
    }
    %scan3A_32 = arith.constant 128 : i32
    %scan3A_33 = arith.constant 0 : i32
    %scan3A_34 = arith.constant 0 : i32
    %scan3A_35 = arith.constant 64 : i32
    %scan3A_36 = arith.addi %scan3A_34, %scan3A_35 : i32
    %scan3A_37 = arith.constant 1 : i32
    scf.for %scan3A_136 = %scan3A_34 to %scan3A_36 step %scan3A_37  : i32 {
      %swap3A = arith.index_cast %scan3A_136 : i32 to index
      %swap3A_137 = arith.constant 0 : index
      %swap3A_138 = tpu.vector_load %arg10[%swap3A, %swap3A_137] {strides = array<i32>} : memref<128x128xf32, #tpu.memory_space<vmem>>, vector<1x16xf32>,
      %swap3A_139 = vector.shape_cast %swap3A_138 : vector<1x16xf32> to vector<16xf32>
      %swap3A_140 = vector.shape_cast %broadcast_in_dim3A_17 : vector<16xf32> to vector<1x16xf32>
      tpu.vector_store %arg10[%swap3A, %swap3A_137], %swap3A_140 {strides = array<i32>} : memref<128x128xf32, #tpu.memory_space<vmem>>, vector<1x16xf32>,
      %swap3A_141 = arith.index_cast %scan3A_136 : i32 to index
      %swap3A_142 = arith.constant 16 : index
      %swap3A_143 = tpu.vector_load %arg10[%swap3A_141, %swap3A_142] {strides = array<i32>} : memref<128x128xf32, #tpu.memory_space<vmem>>, vector<1x16xf32>,
      %swap3A_144 = vector.shape_cast %swap3A_143 : vector<1x16xf32> to vector<16xf32>
      %swap3A_145 = vector.shape_cast %broadcast_in_dim3A_17 : vector<16xf32> to vector<1x16xf32>
      tpu.vector_store %arg10[%swap3A_141, %swap3A_142], %swap3A_145 {strides = array<i32>} : memref<128x128xf32, #tpu.memory_space<vmem>>, vector<1x16xf32>,
      %swap3A_146 = arith.index_cast %scan3A_136 : i32 to index
      %swap3A_147 = arith.constant 32 : index
      %swap3A_148 = tpu.vector_load %arg10[%swap3A_146, %swap3A_147] {strides = array<i32>} : memref<128x128xf32, #tpu.memory_space<vmem>>, vector<1x16xf32>,
      %swap3A_149 = vector.shape_cast %swap3A_148 : vector<1x16xf32> to vector<16xf32>
      %swap3A_150 = vector.shape_cast %broadcast_in_dim3A_17 : vector<16xf32> to vector<1x16xf32>
      tpu.vector_store %arg10[%swap3A_146, %swap3A_147], %swap3A_150 {strides = array<i32>} : memref<128x128xf32, #tpu.memory_space<vmem>>, vector<1x16xf32>,
      %swap3A_151 = arith.index_cast %scan3A_136 : i32 to index
      %swap3A_152 = arith.constant 48 : index
      %swap3A_153 = tpu.vector_load %arg10[%swap3A_151, %swap3A_152] {strides = array<i32>} : memref<128x128xf32, #tpu.memory_space<vmem>>, vector<1x16xf32>,
      %swap3A_154 = vector.shape_cast %swap3A_153 : vector<1x16xf32> to vector<16xf32>
      %swap3A_155 = vector.shape_cast %broadcast_in_dim3A_17 : vector<16xf32> to vector<1x16xf32>
      tpu.vector_store %arg10[%swap3A_151, %swap3A_152], %swap3A_155 {strides = array<i32>} : memref<128x128xf32, #tpu.memory_space<vmem>>, vector<1x16xf32>,
      %swap3A_156 = arith.index_cast %scan3A_136 : i32 to index
      %swap3A_157 = arith.constant 64 : index
      %swap3A_158 = tpu.vector_load %arg10[%swap3A_156, %swap3A_157] {strides = array<i32>} : memref<128x128xf32, #tpu.memory_space<vmem>>, vector<1x16xf32>,
      %swap3A_159 = vector.shape_cast %swap3A_158 : vector<1x16xf32> to vector<16xf32>
      %swap3A_160 = vector.shape_cast %broadcast_in_dim3A_17 : vector<16xf32> to vector<1x16xf32>
      tpu.vector_store %arg10[%swap3A_156, %swap3A_157], %swap3A_160 {strides = array<i32>} : memref<128x128xf32, #tpu.memory_space<vmem>>, vector<1x16xf32>,
      %swap3A_161 = arith.index_cast %scan3A_136 : i32 to index
      %swap3A_162 = arith.constant 80 : index
      %swap3A_163 = tpu.vector_load %arg10[%swap3A_161, %swap3A_162] {strides = array<i32>} : memref<128x128xf32, #tpu.memory_space<vmem>>, vector<1x16xf32>,
      %swap3A_164 = vector.shape_cast %swap3A_163 : vector<1x16xf32> to vector<16xf32>
      %swap3A_165 = vector.shape_cast %broadcast_in_dim3A_17 : vector<16xf32> to vector<1x16xf32>
      tpu.vector_store %arg10[%swap3A_161, %swap3A_162], %swap3A_165 {strides = array<i32>} : memref<128x128xf32, #tpu.memory_space<vmem>>, vector<1x16xf32>,
      %swap3A_166 = arith.index_cast %scan3A_136 : i32 to index
      %swap3A_167 = arith.constant 96 : index
      %swap3A_168 = tpu.vector_load %arg10[%swap3A_166, %swap3A_167] {strides = array<i32>} : memref<128x128xf32, #tpu.memory_space<vmem>>, vector<1x16xf32>,
      %swap3A_169 = vector.shape_cast %swap3A_168 : vector<1x16xf32> to vector<16xf32>
      %swap3A_170 = vector.shape_cast %broadcast_in_dim3A_17 : vector<16xf32> to vector<1x16xf32>
      tpu.vector_store %arg10[%swap3A_166, %swap3A_167], %swap3A_170 {strides = array<i32>} : memref<128x128xf32, #tpu.memory_space<vmem>>, vector<1x16xf32>,
      %swap3A_171 = arith.index_cast %scan3A_136 : i32 to index
      %swap3A_172 = arith.constant 112 : index
      %swap3A_173 = tpu.vector_load %arg10[%swap3A_171, %swap3A_172] {strides = array<i32>} : memref<128x128xf32, #tpu.memory_space<vmem>>, vector<1x16xf32>,
      %swap3A_174 = vector.shape_cast %swap3A_173 : vector<1x16xf32> to vector<16xf32>
      %swap3A_175 = vector.shape_cast %broadcast_in_dim3A_17 : vector<16xf32> to vector<1x16xf32>
      tpu.vector_store %arg10[%swap3A_171, %swap3A_172], %swap3A_175 {strides = array<i32>} : memref<128x128xf32, #tpu.memory_space<vmem>>, vector<1x16xf32>,
    }
    %scan3A_38 = arith.constant 64 : i32
    %scan3A_39 = arith.constant 0 : i32
    %scan3A_40 = arith.constant 0 : i32
    %scan3A_41 = arith.constant 10 : i32
    %scan3A_42 = arith.addi %scan3A_40, %scan3A_41 : i32
    %scan3A_43 = arith.constant 1 : i32
    scf.for %scan3A_136 = %scan3A_40 to %scan3A_42 step %scan3A_43  : i32 {
      %mul3A_137 = arith.constant 640 : i32
      %mul3A_138 = arith.muli %arg1, %mul3A_137 : i32
      %mul3A_139 = arith.constant 64 : i32
      %mul3A_140 = arith.muli %scan3A_136, %mul3A_139 : i32
      %add3A_141 = arith.addi %mul3A_138, %mul3A_140 : i32
      "tpu.region"() ({
        %run_scoped3A = tpu.sem_alloc : memref<!tpu.dma_semaphore, #tpu.memory_space<semaphore_mem>>
        %dma_start3A_142 = arith.constant 0 : i32
        %dma_start3A_143 = arith.constant 0 : i32
        %dma_start3A_144 = tpu.memref_slice %arg10[%dma_start3A_142, %dma_start3A_143] : memref<128x128xf32, #tpu.memory_space<vmem>> -> memref<64x128xf32, #tpu.memory_space<vmem>>
        %dma_start3A_145 = arith.constant 0 : i32
        %dma_start3A_146 = tpu.memref_slice %arg13[%add3A_141, %dma_start3A_145] : memref<10240x128xf32, #tpu.memory_space<vmem_shared>> -> memref<64x128xf32, #tpu.memory_space<vmem_shared>>
        %dma_start3A_147 = arith.constant 0 : i32
        %dma_start3A_148 = tpu.memref_slice %arg13[%add3A_141, %dma_start3A_147] : memref<10240x128xf32, #tpu.memory_space<vmem_shared>> -> memref<64x128xf32, #tpu.memory_space<vmem_shared>>
        %dma_start3A_149 = arith.constant 0 : i32
        %dma_start3A_150 = arith.constant 0 : i32
        %dma_start3A_151 = tpu.memref_slice %arg10[%dma_start3A_149, %dma_start3A_150] : memref<128x128xf32, #tpu.memory_space<vmem>> -> memref<64x128xf32, #tpu.memory_space<vmem>>
        tpu.enqueue_dma source(%dma_start3A_151 : memref<64x128xf32, #tpu.memory_space<vmem>>) target(%dma_start3A_148 : memref<64x128xf32, #tpu.memory_space<vmem_shared>>) target_semaphore(%run_scoped3A : memref<!tpu.dma_semaphore, #tpu.memory_space<semaphore_mem>>)
        %dma_wait3A_152 = arith.constant 0 : i32
        %dma_wait3A_153 = arith.constant 0 : i32
        %dma_wait3A_154 = tpu.memref_slice %arg10[%dma_wait3A_152, %dma_wait3A_153] : memref<128x128xf32, #tpu.memory_space<vmem>> -> memref<64x128xf32, #tpu.memory_space<vmem>>
        %dma_wait3A_155 = arith.constant 0 : i32
        %dma_wait3A_156 = tpu.memref_slice %arg13[%add3A_141, %dma_wait3A_155] : memref<10240x128xf32, #tpu.memory_space<vmem_shared>> -> memref<64x128xf32, #tpu.memory_space<vmem_shared>>
        %dma_wait3A_157 = arith.constant 0 : i32
        %dma_wait3A_158 = tpu.memref_slice %arg13[%add3A_141, %dma_wait3A_157] : memref<10240x128xf32, #tpu.memory_space<vmem_shared>> -> memref<64x128xf32, #tpu.memory_space<vmem_shared>>
        %dma_wait3A_159 = arith.constant 0 : i32
        %dma_wait3A_160 = arith.constant 0 : i32
        %dma_wait3A_161 = tpu.memref_slice %arg10[%dma_wait3A_159, %dma_wait3A_160] : memref<128x128xf32, #tpu.memory_space<vmem>> -> memref<64x128xf32, #tpu.memory_space<vmem>>
        tpu.wait_dma2 semaphore(%run_scoped3A : memref<!tpu.dma_semaphore, #tpu.memory_space<semaphore_mem>>) src(%dma_wait3A_161 : memref<64x128xf32, #tpu.memory_space<vmem>>) dst(%dma_wait3A_158 : memref<64x128xf32, #tpu.memory_space<vmem_shared>>)
        tpu.yield
      }) : () -> ()
    }
    %scan3A_44 = arith.constant 10 : i32
    %scan3A_45 = arith.constant 0 : i32
    %scan3A_46 = arith.constant 0 : i32
    %scan3A_47 = arith.constant 10 : i32
    %scan3A_48 = arith.addi %scan3A_46, %scan3A_47 : i32
    %scan3A_49 = arith.constant 1 : i32
    scf.for %scan3A_136 = %scan3A_46 to %scan3A_48 step %scan3A_49  : i32 {
      %mul3A_137 = arith.constant 640 : i32
      %mul3A_138 = arith.muli %arg1, %mul3A_137 : i32
      %mul3A_139 = arith.constant 64 : i32
      %mul3A_140 = arith.muli %scan3A_136, %mul3A_139 : i32
      %add3A_141 = arith.addi %mul3A_138, %mul3A_140 : i32
      "tpu.region"() ({
        %run_scoped3A = tpu.sem_alloc : memref<!tpu.dma_semaphore, #tpu.memory_space<semaphore_mem>>
        %dma_start3A_142 = arith.constant 0 : i32
        %dma_start3A_143 = arith.constant 0 : i32
        %dma_start3A_144 = tpu.memref_slice %arg10[%dma_start3A_142, %dma_start3A_143] : memref<128x128xf32, #tpu.memory_space<vmem>> -> memref<64x16xf32, #tpu.memory_space<vmem>>
        %dma_start3A_145 = arith.constant 0 : i32
        %dma_start3A_146 = tpu.memref_slice %arg14[%add3A_141, %dma_start3A_145] : memref<10240x16xf32, #tpu.memory_space<vmem_shared>> -> memref<64x16xf32, #tpu.memory_space<vmem_shared>>
        %dma_start3A_147 = arith.constant 0 : i32
        %dma_start3A_148 = tpu.memref_slice %arg14[%add3A_141, %dma_start3A_147] : memref<10240x16xf32, #tpu.memory_space<vmem_shared>> -> memref<64x16xf32, #tpu.memory_space<vmem_shared>>
        %dma_start3A_149 = arith.constant 0 : i32
        %dma_start3A_150 = arith.constant 0 : i32
        %dma_start3A_151 = tpu.memref_slice %arg10[%dma_start3A_149, %dma_start3A_150] : memref<128x128xf32, #tpu.memory_space<vmem>> -> memref<64x16xf32, #tpu.memory_space<vmem>>
        tpu.enqueue_dma source(%dma_start3A_151 : memref<64x16xf32, #tpu.memory_space<vmem>>) target(%dma_start3A_148 : memref<64x16xf32, #tpu.memory_space<vmem_shared>>) target_semaphore(%run_scoped3A : memref<!tpu.dma_semaphore, #tpu.memory_space<semaphore_mem>>)
        %dma_wait3A_152 = arith.constant 0 : i32
        %dma_wait3A_153 = arith.constant 0 : i32
        %dma_wait3A_154 = tpu.memref_slice %arg10[%dma_wait3A_152, %dma_wait3A_153] : memref<128x128xf32, #tpu.memory_space<vmem>> -> memref<64x16xf32, #tpu.memory_space<vmem>>
        %dma_wait3A_155 = arith.constant 0 : i32
        %dma_wait3A_156 = tpu.memref_slice %arg14[%add3A_141, %dma_wait3A_155] : memref<10240x16xf32, #tpu.memory_space<vmem_shared>> -> memref<64x16xf32, #tpu.memory_space<vmem_shared>>
        %dma_wait3A_157 = arith.constant 0 : i32
        %dma_wait3A_158 = tpu.memref_slice %arg14[%add3A_141, %dma_wait3A_157] : memref<10240x16xf32, #tpu.memory_space<vmem_shared>> -> memref<64x16xf32, #tpu.memory_space<vmem_shared>>
        %dma_wait3A_159 = arith.constant 0 : i32
        %dma_wait3A_160 = arith.constant 0 : i32
        %dma_wait3A_161 = tpu.memref_slice %arg10[%dma_wait3A_159, %dma_wait3A_160] : memref<128x128xf32, #tpu.memory_space<vmem>> -> memref<64x16xf32, #tpu.memory_space<vmem>>
        tpu.wait_dma2 semaphore(%run_scoped3A : memref<!tpu.dma_semaphore, #tpu.memory_space<semaphore_mem>>) src(%dma_wait3A_161 : memref<64x16xf32, #tpu.memory_space<vmem>>) dst(%dma_wait3A_158 : memref<64x16xf32, #tpu.memory_space<vmem_shared>>)
        tpu.yield
      }) : () -> ()
    }
    %scan3A_50 = arith.constant 10 : i32
    %barrier3A = arith.constant 0 : index
    tpu.barrier barrier_id(%barrier3A)
    %add3A_51 = arith.constant 0 : i32
    %add3A_52 = arith.addi %select_n3A_16, %add3A_51 : i32
    %mul3A_53 = arith.constant 128 : i32
    %mul3A_54 = arith.muli %add3A_52, %mul3A_53 : i32
    %dma_start3A = tpu.memref_slice %arg2[%mul3A_54] : memref<640000xi32, #tpu.memory_space<hbm>> -> memref<128xi32, #tpu.memory_space<hbm>>
    %dma_start3A_55 = tpu.memref_slice %arg2[%mul3A_54] : memref<640000xi32, #tpu.memory_space<hbm>> -> memref<128xi32, #tpu.memory_space<hbm>>
    tpu.enqueue_dma source(%dma_start3A_55 : memref<128xi32, #tpu.memory_space<hbm>>) target(%arg6 : memref<128xi32, #tpu.memory_space<vmem>>) target_semaphore(%arg15 : memref<!tpu.dma_semaphore, #tpu.memory_space<semaphore_mem>>)
    %add3A_56 = arith.constant 320000 : i32
    %add3A_57 = arith.addi %add3A_56, %mul3A_54 : i32
    %dma_start3A_58 = tpu.memref_slice %arg2[%add3A_57] : memref<640000xi32, #tpu.memory_space<hbm>> -> memref<128xi32, #tpu.memory_space<hbm>>
    %dma_start3A_59 = tpu.memref_slice %arg2[%add3A_57] : memref<640000xi32, #tpu.memory_space<hbm>> -> memref<128xi32, #tpu.memory_space<hbm>>
    tpu.enqueue_dma source(%dma_start3A_59 : memref<128xi32, #tpu.memory_space<hbm>>) target(%arg8 : memref<128xi32, #tpu.memory_space<vmem>>) target_semaphore(%arg15 : memref<!tpu.dma_semaphore, #tpu.memory_space<semaphore_mem>>)
    %add3A_60 = arith.constant 1 : i32
    %add3A_61 = arith.addi %select_n3A_16, %add3A_60 : i32
    %mul3A_62 = arith.constant 128 : i32
    %mul3A_63 = arith.muli %add3A_61, %mul3A_62 : i32
    %dma_start3A_64 = tpu.memref_slice %arg2[%mul3A_63] : memref<640000xi32, #tpu.memory_space<hbm>> -> memref<128xi32, #tpu.memory_space<hbm>>
    %dma_start3A_65 = tpu.memref_slice %arg2[%mul3A_63] : memref<640000xi32, #tpu.memory_space<hbm>> -> memref<128xi32, #tpu.memory_space<hbm>>
    tpu.enqueue_dma source(%dma_start3A_65 : memref<128xi32, #tpu.memory_space<hbm>>) target(%arg7 : memref<128xi32, #tpu.memory_space<vmem>>) target_semaphore(%arg16 : memref<!tpu.dma_semaphore, #tpu.memory_space<semaphore_mem>>)
    %add3A_66 = arith.constant 320000 : i32
    %add3A_67 = arith.addi %add3A_66, %mul3A_63 : i32
    %dma_start3A_68 = tpu.memref_slice %arg2[%add3A_67] : memref<640000xi32, #tpu.memory_space<hbm>> -> memref<128xi32, #tpu.memory_space<hbm>>
    %dma_start3A_69 = tpu.memref_slice %arg2[%add3A_67] : memref<640000xi32, #tpu.memory_space<hbm>> -> memref<128xi32, #tpu.memory_space<hbm>>
    tpu.enqueue_dma source(%dma_start3A_69 : memref<128xi32, #tpu.memory_space<hbm>>) target(%arg9 : memref<128xi32, #tpu.memory_space<vmem>>) target_semaphore(%arg16 : memref<!tpu.dma_semaphore, #tpu.memory_space<semaphore_mem>>)
    %dma_wait3A = arith.constant 0 : i32
    %dma_wait3A_70 = tpu.memref_slice %arg2[%dma_wait3A] : memref<640000xi32, #tpu.memory_space<hbm>> -> memref<128xi32, #tpu.memory_space<hbm>>
    %dma_wait3A_71 = arith.constant 0 : i32
    %dma_wait3A_72 = tpu.memref_slice %arg2[%dma_wait3A_71] : memref<640000xi32, #tpu.memory_space<hbm>> -> memref<128xi32, #tpu.memory_space<hbm>>
    tpu.wait_dma2 semaphore(%arg15 : memref<!tpu.dma_semaphore, #tpu.memory_space<semaphore_mem>>) src(%dma_wait3A_72 : memref<128xi32, #tpu.memory_space<hbm>>) dst(%arg6 : memref<128xi32, #tpu.memory_space<vmem>>)
    %dma_wait3A_73 = arith.constant 0 : i32
    %dma_wait3A_74 = tpu.memref_slice %arg2[%dma_wait3A_73] : memref<640000xi32, #tpu.memory_space<hbm>> -> memref<128xi32, #tpu.memory_space<hbm>>
    %dma_wait3A_75 = arith.constant 0 : i32
    %dma_wait3A_76 = tpu.memref_slice %arg2[%dma_wait3A_75] : memref<640000xi32, #tpu.memory_space<hbm>> -> memref<128xi32, #tpu.memory_space<hbm>>
    tpu.wait_dma2 semaphore(%arg15 : memref<!tpu.dma_semaphore, #tpu.memory_space<semaphore_mem>>) src(%dma_wait3A_76 : memref<128xi32, #tpu.memory_space<hbm>>) dst(%arg8 : memref<128xi32, #tpu.memory_space<vmem>>)
    %dma_start3A_77 = arith.constant 0 : i32
    %dma_start3A_78 = arith.constant 0 : i32
    %dma_start3A_79 = tpu.memref_slice %arg3[%dma_start3A_77, %dma_start3A_78] : memref<10000x128xf32, #tpu.memory_space<hbm>> -> memref<10000x128xf32, #tpu.memory_space<hbm>>
    tpu.enqueue_indirect_dma source(%dma_start3A_79 : memref<10000x128xf32, #tpu.memory_space<hbm>>) target(%arg10 : memref<128x128xf32, #tpu.memory_space<vmem>>) offsets(%arg6 : memref<128xi32, #tpu.memory_space<vmem>>) semaphore(%arg17 : memref<!tpu.dma_semaphore, #tpu.memory_space<semaphore_mem>>)
    %jit3A_80 = arith.constant 2 : i32
    %div3A = arith.divsi %select_n3A_4, %jit3A_80 : i32
    %sign3A = arith.constant 0 : i32
    %sign3A_81 = arith.cmpi sgt, %select_n3A_4, %sign3A : i32
    %sign3A_82 = arith.extui %sign3A_81 : i1 to i32
    %sign3A_83 = arith.constant 0 : i32
    %sign3A_84 = arith.cmpi slt, %select_n3A_4, %sign3A_83 : i32
    %sign3A_85 = arith.extui %sign3A_84 : i1 to i32
    %sign3A_86 = arith.subi %sign3A_82, %sign3A_85 : i32
    %sign3A_87 = arith.constant 0 : i32
    %sign3A_88 = arith.cmpi sgt, %jit3A_80, %sign3A_87 : i32
    %sign3A_89 = arith.extui %sign3A_88 : i1 to i32
    %sign3A_90 = arith.constant 0 : i32
    %sign3A_91 = arith.cmpi slt, %jit3A_80, %sign3A_90 : i32
    %sign3A_92 = arith.extui %sign3A_91 : i1 to i32
    %sign3A_93 = arith.subi %sign3A_89, %sign3A_92 : i32
    %ne3A = arith.cmpi ne, %sign3A_86, %sign3A_93 : i32
    %rem3A = arith.remsi %select_n3A_4, %jit3A_80 : i32
    %ne3A_94 = arith.constant 0 : i32
    %ne3A_95 = arith.cmpi ne, %rem3A, %ne3A_94 : i32
    %and3A = arith.andi %ne3A, %ne3A_95 : i1
    %sub3A_96 = arith.constant 1 : i32
    %sub3A_97 = arith.subi %div3A, %sub3A_96 : i32
    %select_n3A_98 = arith.select %and3A, %sub3A_97, %div3A : i32
    %sub3A_99 = arith.constant 1 : i32
    %sub3A_100 = arith.subi %select_n3A_98, %sub3A_99 : i32
    %while3A = arith.constant 0 : i32
    %while3A_101 = arith.constant 0 : i32
    %while3A_102 = arith.subi %sub3A_100, %while3A_101 : i32
    %while3A_103 = arith.addi %while3A_101, %while3A_102 : i32
    %while3A_104 = arith.constant 1 : i32
    %while3A_105 = arith.divsi %while3A_102, %while3A_104 : i32
    %while3A_106 = arith.muli %while3A_105, %while3A_104 : i32
    %while3A_107 = arith.addi %while3A_101, %while3A_106 : i32
    %while3A_108 = arith.constant 1 : i32
    scf.for %while3A_136 = %while3A_101 to %while3A_107 step %while3A_108  : i32 {
      %mul3A_137 = arith.constant 2 : i32
      %mul3A_138 = arith.muli %mul3A_137, %while3A_136 : i32
      %add3A_139 = arith.constant 0 : i32
      %add3A_140 = arith.addi %mul3A_138, %add3A_139 : i32
      %dma_wait3A_141 = arith.constant 0 : i32
      %dma_wait3A_142 = arith.constant 0 : i32
      %dma_wait3A_143 = tpu.memref_slice %arg3[%dma_wait3A_141, %dma_wait3A_142] : memref<10000x128xf32, #tpu.memory_space<hbm>> -> memref<10000x128xf32, #tpu.memory_space<hbm>>
      tpu.wait_indirect_dma semaphore(%arg17 : memref<!tpu.dma_semaphore, #tpu.memory_space<semaphore_mem>>) src(%dma_wait3A_143 : memref<10000x128xf32, #tpu.memory_space<hbm>>) dst(%arg10 : memref<128x128xf32, #tpu.memory_space<vmem>>)
      %dma_wait3A_144 = arith.constant 0 : i32
      %dma_wait3A_145 = tpu.memref_slice %arg2[%dma_wait3A_144] : memref<640000xi32, #tpu.memory_space<hbm>> -> memref<128xi32, #tpu.memory_space<hbm>>
      %dma_wait3A_146 = arith.constant 0 : i32
      %dma_wait3A_147 = tpu.memref_slice %arg2[%dma_wait3A_146] : memref<640000xi32, #tpu.memory_space<hbm>> -> memref<128xi32, #tpu.memory_space<hbm>>
      tpu.wait_dma2 semaphore(%arg16 : memref<!tpu.dma_semaphore, #tpu.memory_space<semaphore_mem>>) src(%dma_wait3A_147 : memref<128xi32, #tpu.memory_space<hbm>>) dst(%arg7 : memref<128xi32, #tpu.memory_space<vmem>>)
      %dma_wait3A_148 = arith.constant 0 : i32
      %dma_wait3A_149 = tpu.memref_slice %arg2[%dma_wait3A_148] : memref<640000xi32, #tpu.memory_space<hbm>> -> memref<128xi32, #tpu.memory_space<hbm>>
      %dma_wait3A_150 = arith.constant 0 : i32
      %dma_wait3A_151 = tpu.memref_slice %arg2[%dma_wait3A_150] : memref<640000xi32, #tpu.memory_space<hbm>> -> memref<128xi32, #tpu.memory_space<hbm>>
      tpu.wait_dma2 semaphore(%arg16 : memref<!tpu.dma_semaphore, #tpu.memory_space<semaphore_mem>>) src(%dma_wait3A_151 : memref<128xi32, #tpu.memory_space<hbm>>) dst(%arg9 : memref<128xi32, #tpu.memory_space<vmem>>)
      %dma_start3A_152 = arith.constant 0 : i32
      %dma_start3A_153 = arith.constant 0 : i32
      %dma_start3A_154 = tpu.memref_slice %arg3[%dma_start3A_152, %dma_start3A_153] : memref<10000x128xf32, #tpu.memory_space<hbm>> -> memref<10000x128xf32, #tpu.memory_space<hbm>>
      tpu.enqueue_indirect_dma source(%dma_start3A_154 : memref<10000x128xf32, #tpu.memory_space<hbm>>) target(%arg11 : memref<128x128xf32, #tpu.memory_space<vmem>>) offsets(%arg7 : memref<128xi32, #tpu.memory_space<vmem>>) semaphore(%arg18 : memref<!tpu.dma_semaphore, #tpu.memory_space<semaphore_mem>>)
      "tpu.region"() ({
        %run_scoped3A = tpu.sem_alloc : memref<!tpu.dma_semaphore, #tpu.memory_space<semaphore_mem>>
        %dma_start3A_195 = arith.constant 0 : i32
        %dma_start3A_196 = arith.constant 0 : i32
        %dma_start3A_197 = tpu.memref_slice %arg13[%dma_start3A_195, %dma_start3A_196] : memref<10240x128xf32, #tpu.memory_space<vmem_shared>> -> memref<10240x128xf32, #tpu.memory_space<vmem_shared>>
        tpu.enqueue_indirect_dma source(%arg10 : memref<128x128xf32, #tpu.memory_space<vmem>>) target(%dma_start3A_197 : memref<10240x128xf32, #tpu.memory_space<vmem_shared>>) offsets(%arg8 : memref<128xi32, #tpu.memory_space<vmem>>) semaphore(%run_scoped3A : memref<!tpu.dma_semaphore, #tpu.memory_space<semaphore_mem>>) {add = true}
        %dma_wait3A_198 = arith.constant 0 : i32
        %dma_wait3A_199 = arith.constant 0 : i32
        %dma_wait3A_200 = tpu.memref_slice %arg13[%dma_wait3A_198, %dma_wait3A_199] : memref<10240x128xf32, #tpu.memory_space<vmem_shared>> -> memref<10240x128xf32, #tpu.memory_space<vmem_shared>>
        tpu.wait_indirect_dma semaphore(%run_scoped3A : memref<!tpu.dma_semaphore, #tpu.memory_space<semaphore_mem>>) src(%arg10 : memref<128x128xf32, #tpu.memory_space<vmem>>) dst(%dma_wait3A_200 : memref<10240x128xf32, #tpu.memory_space<vmem_shared>>)
        tpu.yield
      }) : () -> ()
      "tpu.region"() ({
        %run_scoped3A = tpu.sem_alloc : memref<!tpu.dma_semaphore, #tpu.memory_space<semaphore_mem>>
        %dma_start3A_195 = arith.constant 0 : i32
        %dma_start3A_196 = arith.constant 0 : i32
        %dma_start3A_197 = tpu.memref_slice %arg14[%dma_start3A_195, %dma_start3A_196] : memref<10240x16xf32, #tpu.memory_space<vmem_shared>> -> memref<10240x16xf32, #tpu.memory_space<vmem_shared>>
        tpu.enqueue_indirect_dma source(%arg12 : memref<128x16xf32, #tpu.memory_space<vmem>>) target(%dma_start3A_197 : memref<10240x16xf32, #tpu.memory_space<vmem_shared>>) offsets(%arg8 : memref<128xi32, #tpu.memory_space<vmem>>) semaphore(%run_scoped3A : memref<!tpu.dma_semaphore, #tpu.memory_space<semaphore_mem>>) {add = true}
        %dma_wait3A_198 = arith.constant 0 : i32
        %dma_wait3A_199 = arith.constant 0 : i32
        %dma_wait3A_200 = tpu.memref_slice %arg14[%dma_wait3A_198, %dma_wait3A_199] : memref<10240x16xf32, #tpu.memory_space<vmem_shared>> -> memref<10240x16xf32, #tpu.memory_space<vmem_shared>>
        tpu.wait_indirect_dma semaphore(%run_scoped3A : memref<!tpu.dma_semaphore, #tpu.memory_space<semaphore_mem>>) src(%arg12 : memref<128x16xf32, #tpu.memory_space<vmem>>) dst(%dma_wait3A_200 : memref<10240x16xf32, #tpu.memory_space<vmem_shared>>)
        tpu.yield
      }) : () -> ()
      %add3A_155 = arith.constant 2 : i32
      %add3A_156 = arith.addi %add3A_140, %add3A_155 : i32
      %add3A_157 = arith.addi %select_n3A_16, %add3A_156 : i32
      %mul3A_158 = arith.constant 128 : i32
      %mul3A_159 = arith.muli %add3A_157, %mul3A_158 : i32
      %dma_start3A_160 = tpu.memref_slice %arg2[%mul3A_159] : memref<640000xi32, #tpu.memory_space<hbm>> -> memref<128xi32, #tpu.memory_space<hbm>>
      %dma_start3A_161 = tpu.memref_slice %arg2[%mul3A_159] : memref<640000xi32, #tpu.memory_space<hbm>> -> memref<128xi32, #tpu.memory_space<hbm>>
      tpu.enqueue_dma source(%dma_start3A_161 : memref<128xi32, #tpu.memory_space<hbm>>) target(%arg6 : memref<128xi32, #tpu.memory_space<vmem>>) target_semaphore(%arg15 : memref<!tpu.dma_semaphore, #tpu.memory_space<semaphore_mem>>)
      %add3A_162 = arith.constant 320000 : i32
      %add3A_163 = arith.addi %add3A_162, %mul3A_159 : i32
      %dma_start3A_164 = tpu.memref_slice %arg2[%add3A_163] : memref<640000xi32, #tpu.memory_space<hbm>> -> memref<128xi32, #tpu.memory_space<hbm>>
      %dma_start3A_165 = tpu.memref_slice %arg2[%add3A_163] : memref<640000xi32, #tpu.memory_space<hbm>> -> memref<128xi32, #tpu.memory_space<hbm>>
      tpu.enqueue_dma source(%dma_start3A_165 : memref<128xi32, #tpu.memory_space<hbm>>) target(%arg8 : memref<128xi32, #tpu.memory_space<vmem>>) target_semaphore(%arg15 : memref<!tpu.dma_semaphore, #tpu.memory_space<semaphore_mem>>)
      %mul3A_166 = arith.constant 2 : i32
      %mul3A_167 = arith.muli %mul3A_166, %while3A_136 : i32
      %add3A_168 = arith.constant 1 : i32
      %add3A_169 = arith.addi %mul3A_167, %add3A_168 : i32
      %dma_wait3A_170 = arith.constant 0 : i32
      %dma_wait3A_171 = arith.constant 0 : i32
      %dma_wait3A_172 = tpu.memref_slice %arg3[%dma_wait3A_170, %dma_wait3A_171] : memref<10000x128xf32, #tpu.memory_space<hbm>> -> memref<10000x128xf32, #tpu.memory_space<hbm>>
      tpu.wait_indirect_dma semaphore(%arg18 : memref<!tpu.dma_semaphore, #tpu.memory_space<semaphore_mem>>) src(%dma_wait3A_172 : memref<10000x128xf32, #tpu.memory_space<hbm>>) dst(%arg11 : memref<128x128xf32, #tpu.memory_space<vmem>>)
      %dma_wait3A_173 = arith.constant 0 : i32
      %dma_wait3A_174 = tpu.memref_slice %arg2[%dma_wait3A_173] : memref<640000xi32, #tpu.memory_space<hbm>> -> memref<128xi32, #tpu.memory_space<hbm>>
      %dma_wait3A_175 = arith.constant 0 : i32
      %dma_wait3A_176 = tpu.memref_slice %arg2[%dma_wait3A_175] : memref<640000xi32, #tpu.memory_space<hbm>> -> memref<128xi32, #tpu.memory_space<hbm>>
      tpu.wait_dma2 semaphore(%arg15 : memref<!tpu.dma_semaphore, #tpu.memory_space<semaphore_mem>>) src(%dma_wait3A_176 : memref<128xi32, #tpu.memory_space<hbm>>) dst(%arg6 : memref<128xi32, #tpu.memory_space<vmem>>)
      %dma_wait3A_177 = arith.constant 0 : i32
      %dma_wait3A_178 = tpu.memref_slice %arg2[%dma_wait3A_177] : memref<640000xi32, #tpu.memory_space<hbm>> -> memref<128xi32, #tpu.memory_space<hbm>>
      %dma_wait3A_179 = arith.constant 0 : i32
      %dma_wait3A_180 = tpu.memref_slice %arg2[%dma_wait3A_179] : memref<640000xi32, #tpu.memory_space<hbm>> -> memref<128xi32, #tpu.memory_space<hbm>>
      tpu.wait_dma2 semaphore(%arg15 : memref<!tpu.dma_semaphore, #tpu.memory_space<semaphore_mem>>) src(%dma_wait3A_180 : memref<128xi32, #tpu.memory_space<hbm>>) dst(%arg8 : memref<128xi32, #tpu.memory_space<vmem>>)
      %dma_start3A_181 = arith.constant 0 : i32
      %dma_start3A_182 = arith.constant 0 : i32
      %dma_start3A_183 = tpu.memref_slice %arg3[%dma_start3A_181, %dma_start3A_182] : memref<10000x128xf32, #tpu.memory_space<hbm>> -> memref<10000x128xf32, #tpu.memory_space<hbm>>
      tpu.enqueue_indirect_dma source(%dma_start3A_183 : memref<10000x128xf32, #tpu.memory_space<hbm>>) target(%arg10 : memref<128x128xf32, #tpu.memory_space<vmem>>) offsets(%arg6 : memref<128xi32, #tpu.memory_space<vmem>>) semaphore(%arg17 : memref<!tpu.dma_semaphore, #tpu.memory_space<semaphore_mem>>)
      "tpu.region"() ({
        %run_scoped3A = tpu.sem_alloc : memref<!tpu.dma_semaphore, #tpu.memory_space<semaphore_mem>>
        %dma_start3A_195 = arith.constant 0 : i32
        %dma_start3A_196 = arith.constant 0 : i32
        %dma_start3A_197 = tpu.memref_slice %arg13[%dma_start3A_195, %dma_start3A_196] : memref<10240x128xf32, #tpu.memory_space<vmem_shared>> -> memref<10240x128xf32, #tpu.memory_space<vmem_shared>>
        tpu.enqueue_indirect_dma source(%arg11 : memref<128x128xf32, #tpu.memory_space<vmem>>) target(%dma_start3A_197 : memref<10240x128xf32, #tpu.memory_space<vmem_shared>>) offsets(%arg9 : memref<128xi32, #tpu.memory_space<vmem>>) semaphore(%run_scoped3A : memref<!tpu.dma_semaphore, #tpu.memory_space<semaphore_mem>>) {add = true}
        %dma_wait3A_198 = arith.constant 0 : i32
        %dma_wait3A_199 = arith.constant 0 : i32
        %dma_wait3A_200 = tpu.memref_slice %arg13[%dma_wait3A_198, %dma_wait3A_199] : memref<10240x128xf32, #tpu.memory_space<vmem_shared>> -> memref<10240x128xf32, #tpu.memory_space<vmem_shared>>
        tpu.wait_indirect_dma semaphore(%run_scoped3A : memref<!tpu.dma_semaphore, #tpu.memory_space<semaphore_mem>>) src(%arg11 : memref<128x128xf32, #tpu.memory_space<vmem>>) dst(%dma_wait3A_200 : memref<10240x128xf32, #tpu.memory_space<vmem_shared>>)
        tpu.yield
      }) : () -> ()
      "tpu.region"() ({
        %run_scoped3A = tpu.sem_alloc : memref<!tpu.dma_semaphore, #tpu.memory_space<semaphore_mem>>
        %dma_start3A_195 = arith.constant 0 : i32
        %dma_start3A_196 = arith.constant 0 : i32
        %dma_start3A_197 = tpu.memref_slice %arg14[%dma_start3A_195, %dma_start3A_196] : memref<10240x16xf32, #tpu.memory_space<vmem_shared>> -> memref<10240x16xf32, #tpu.memory_space<vmem_shared>>
        tpu.enqueue_indirect_dma source(%arg12 : memref<128x16xf32, #tpu.memory_space<vmem>>) target(%dma_start3A_197 : memref<10240x16xf32, #tpu.memory_space<vmem_shared>>) offsets(%arg9 : memref<128xi32, #tpu.memory_space<vmem>>) semaphore(%run_scoped3A : memref<!tpu.dma_semaphore, #tpu.memory_space<semaphore_mem>>) {add = true}
        %dma_wait3A_198 = arith.constant 0 : i32
        %dma_wait3A_199 = arith.constant 0 : i32
        %dma_wait3A_200 = tpu.memref_slice %arg14[%dma_wait3A_198, %dma_wait3A_199] : memref<10240x16xf32, #tpu.memory_space<vmem_shared>> -> memref<10240x16xf32, #tpu.memory_space<vmem_shared>>
        tpu.wait_indirect_dma semaphore(%run_scoped3A : memref<!tpu.dma_semaphore, #tpu.memory_space<semaphore_mem>>) src(%arg12 : memref<128x16xf32, #tpu.memory_space<vmem>>) dst(%dma_wait3A_200 : memref<10240x16xf32, #tpu.memory_space<vmem_shared>>)
        tpu.yield
      }) : () -> ()
      %add3A_184 = arith.constant 2 : i32
      %add3A_185 = arith.addi %add3A_169, %add3A_184 : i32
      %add3A_186 = arith.addi %select_n3A_16, %add3A_185 : i32
      %mul3A_187 = arith.constant 128 : i32
      %mul3A_188 = arith.muli %add3A_186, %mul3A_187 : i32
      %dma_start3A_189 = tpu.memref_slice %arg2[%mul3A_188] : memref<640000xi32, #tpu.memory_space<hbm>> -> memref<128xi32, #tpu.memory_space<hbm>>
      %dma_start3A_190 = tpu.memref_slice %arg2[%mul3A_188] : memref<640000xi32, #tpu.memory_space<hbm>> -> memref<128xi32, #tpu.memory_space<hbm>>
      tpu.enqueue_dma source(%dma_start3A_190 : memref<128xi32, #tpu.memory_space<hbm>>) target(%arg7 : memref<128xi32, #tpu.memory_space<vmem>>) target_semaphore(%arg16 : memref<!tpu.dma_semaphore, #tpu.memory_space<semaphore_mem>>)
      %add3A_191 = arith.constant 320000 : i32
      %add3A_192 = arith.addi %add3A_191, %mul3A_188 : i32
      %dma_start3A_193 = tpu.memref_slice %arg2[%add3A_192] : memref<640000xi32, #tpu.memory_space<hbm>> -> memref<128xi32, #tpu.memory_space<hbm>>
      %dma_start3A_194 = tpu.memref_slice %arg2[%add3A_192] : memref<640000xi32, #tpu.memory_space<hbm>> -> memref<128xi32, #tpu.memory_space<hbm>>
      tpu.enqueue_dma source(%dma_start3A_194 : memref<128xi32, #tpu.memory_space<hbm>>) target(%arg9 : memref<128xi32, #tpu.memory_space<vmem>>) target_semaphore(%arg16 : memref<!tpu.dma_semaphore, #tpu.memory_space<semaphore_mem>>)
    }
    %while3A_109 = arith.constant 1 : i32
    scf.for %while3A_136 = %while3A_107 to %while3A_103 step %while3A_109  : i32 {
      %mul3A_137 = arith.constant 2 : i32
      %mul3A_138 = arith.muli %mul3A_137, %while3A_136 : i32
      %add3A_139 = arith.constant 0 : i32
      %add3A_140 = arith.addi %mul3A_138, %add3A_139 : i32
      %dma_wait3A_141 = arith.constant 0 : i32
      %dma_wait3A_142 = arith.constant 0 : i32
      %dma_wait3A_143 = tpu.memref_slice %arg3[%dma_wait3A_141, %dma_wait3A_142] : memref<10000x128xf32, #tpu.memory_space<hbm>> -> memref<10000x128xf32, #tpu.memory_space<hbm>>
      tpu.wait_indirect_dma semaphore(%arg17 : memref<!tpu.dma_semaphore, #tpu.memory_space<semaphore_mem>>) src(%dma_wait3A_143 : memref<10000x128xf32, #tpu.memory_space<hbm>>) dst(%arg10 : memref<128x128xf32, #tpu.memory_space<vmem>>)
      %dma_wait3A_144 = arith.constant 0 : i32
      %dma_wait3A_145 = tpu.memref_slice %arg2[%dma_wait3A_144] : memref<640000xi32, #tpu.memory_space<hbm>> -> memref<128xi32, #tpu.memory_space<hbm>>
      %dma_wait3A_146 = arith.constant 0 : i32
      %dma_wait3A_147 = tpu.memref_slice %arg2[%dma_wait3A_146] : memref<640000xi32, #tpu.memory_space<hbm>> -> memref<128xi32, #tpu.memory_space<hbm>>
      tpu.wait_dma2 semaphore(%arg16 : memref<!tpu.dma_semaphore, #tpu.memory_space<semaphore_mem>>) src(%dma_wait3A_147 : memref<128xi32, #tpu.memory_space<hbm>>) dst(%arg7 : memref<128xi32, #tpu.memory_space<vmem>>)
      %dma_wait3A_148 = arith.constant 0 : i32
      %dma_wait3A_149 = tpu.memref_slice %arg2[%dma_wait3A_148] : memref<640000xi32, #tpu.memory_space<hbm>> -> memref<128xi32, #tpu.memory_space<hbm>>
      %dma_wait3A_150 = arith.constant 0 : i32
      %dma_wait3A_151 = tpu.memref_slice %arg2[%dma_wait3A_150] : memref<640000xi32, #tpu.memory_space<hbm>> -> memref<128xi32, #tpu.memory_space<hbm>>
      tpu.wait_dma2 semaphore(%arg16 : memref<!tpu.dma_semaphore, #tpu.memory_space<semaphore_mem>>) src(%dma_wait3A_151 : memref<128xi32, #tpu.memory_space<hbm>>) dst(%arg9 : memref<128xi32, #tpu.memory_space<vmem>>)
      %dma_start3A_152 = arith.constant 0 : i32
      %dma_start3A_153 = arith.constant 0 : i32
      %dma_start3A_154 = tpu.memref_slice %arg3[%dma_start3A_152, %dma_start3A_153] : memref<10000x128xf32, #tpu.memory_space<hbm>> -> memref<10000x128xf32, #tpu.memory_space<hbm>>
      tpu.enqueue_indirect_dma source(%dma_start3A_154 : memref<10000x128xf32, #tpu.memory_space<hbm>>) target(%arg11 : memref<128x128xf32, #tpu.memory_space<vmem>>) offsets(%arg7 : memref<128xi32, #tpu.memory_space<vmem>>) semaphore(%arg18 : memref<!tpu.dma_semaphore, #tpu.memory_space<semaphore_mem>>)
      "tpu.region"() ({
        %run_scoped3A = tpu.sem_alloc : memref<!tpu.dma_semaphore, #tpu.memory_space<semaphore_mem>>
        %dma_start3A_195 = arith.constant 0 : i32
        %dma_start3A_196 = arith.constant 0 : i32
        %dma_start3A_197 = tpu.memref_slice %arg13[%dma_start3A_195, %dma_start3A_196] : memref<10240x128xf32, #tpu.memory_space<vmem_shared>> -> memref<10240x128xf32, #tpu.memory_space<vmem_shared>>
        tpu.enqueue_indirect_dma source(%arg10 : memref<128x128xf32, #tpu.memory_space<vmem>>) target(%dma_start3A_197 : memref<10240x128xf32, #tpu.memory_space<vmem_shared>>) offsets(%arg8 : memref<128xi32, #tpu.memory_space<vmem>>) semaphore(%run_scoped3A : memref<!tpu.dma_semaphore, #tpu.memory_space<semaphore_mem>>) {add = true}
        %dma_wait3A_198 = arith.constant 0 : i32
        %dma_wait3A_199 = arith.constant 0 : i32
        %dma_wait3A_200 = tpu.memref_slice %arg13[%dma_wait3A_198, %dma_wait3A_199] : memref<10240x128xf32, #tpu.memory_space<vmem_shared>> -> memref<10240x128xf32, #tpu.memory_space<vmem_shared>>
        tpu.wait_indirect_dma semaphore(%run_scoped3A : memref<!tpu.dma_semaphore, #tpu.memory_space<semaphore_mem>>) src(%arg10 : memref<128x128xf32, #tpu.memory_space<vmem>>) dst(%dma_wait3A_200 : memref<10240x128xf32, #tpu.memory_space<vmem_shared>>)
        tpu.yield
      }) : () -> ()
      "tpu.region"() ({
        %run_scoped3A = tpu.sem_alloc : memref<!tpu.dma_semaphore, #tpu.memory_space<semaphore_mem>>
        %dma_start3A_195 = arith.constant 0 : i32
        %dma_start3A_196 = arith.constant 0 : i32
        %dma_start3A_197 = tpu.memref_slice %arg14[%dma_start3A_195, %dma_start3A_196] : memref<10240x16xf32, #tpu.memory_space<vmem_shared>> -> memref<10240x16xf32, #tpu.memory_space<vmem_shared>>
        tpu.enqueue_indirect_dma source(%arg12 : memref<128x16xf32, #tpu.memory_space<vmem>>) target(%dma_start3A_197 : memref<10240x16xf32, #tpu.memory_space<vmem_shared>>) offsets(%arg8 : memref<128xi32, #tpu.memory_space<vmem>>) semaphore(%run_scoped3A : memref<!tpu.dma_semaphore, #tpu.memory_space<semaphore_mem>>) {add = true}
        %dma_wait3A_198 = arith.constant 0 : i32
        %dma_wait3A_199 = arith.constant 0 : i32
        %dma_wait3A_200 = tpu.memref_slice %arg14[%dma_wait3A_198, %dma_wait3A_199] : memref<10240x16xf32, #tpu.memory_space<vmem_shared>> -> memref<10240x16xf32, #tpu.memory_space<vmem_shared>>
        tpu.wait_indirect_dma semaphore(%run_scoped3A : memref<!tpu.dma_semaphore, #tpu.memory_space<semaphore_mem>>) src(%arg12 : memref<128x16xf32, #tpu.memory_space<vmem>>) dst(%dma_wait3A_200 : memref<10240x16xf32, #tpu.memory_space<vmem_shared>>)
        tpu.yield
      }) : () -> ()
      %add3A_155 = arith.constant 2 : i32
      %add3A_156 = arith.addi %add3A_140, %add3A_155 : i32
      %add3A_157 = arith.addi %select_n3A_16, %add3A_156 : i32
      %mul3A_158 = arith.constant 128 : i32
      %mul3A_159 = arith.muli %add3A_157, %mul3A_158 : i32
      %dma_start3A_160 = tpu.memref_slice %arg2[%mul3A_159] : memref<640000xi32, #tpu.memory_space<hbm>> -> memref<128xi32, #tpu.memory_space<hbm>>
      %dma_start3A_161 = tpu.memref_slice %arg2[%mul3A_159] : memref<640000xi32, #tpu.memory_space<hbm>> -> memref<128xi32, #tpu.memory_space<hbm>>
      tpu.enqueue_dma source(%dma_start3A_161 : memref<128xi32, #tpu.memory_space<hbm>>) target(%arg6 : memref<128xi32, #tpu.memory_space<vmem>>) target_semaphore(%arg15 : memref<!tpu.dma_semaphore, #tpu.memory_space<semaphore_mem>>)
      %add3A_162 = arith.constant 320000 : i32
      %add3A_163 = arith.addi %add3A_162, %mul3A_159 : i32
      %dma_start3A_164 = tpu.memref_slice %arg2[%add3A_163] : memref<640000xi32, #tpu.memory_space<hbm>> -> memref<128xi32, #tpu.memory_space<hbm>>
      %dma_start3A_165 = tpu.memref_slice %arg2[%add3A_163] : memref<640000xi32, #tpu.memory_space<hbm>> -> memref<128xi32, #tpu.memory_space<hbm>>
      tpu.enqueue_dma source(%dma_start3A_165 : memref<128xi32, #tpu.memory_space<hbm>>) target(%arg8 : memref<128xi32, #tpu.memory_space<vmem>>) target_semaphore(%arg15 : memref<!tpu.dma_semaphore, #tpu.memory_space<semaphore_mem>>)
      %mul3A_166 = arith.constant 2 : i32
      %mul3A_167 = arith.muli %mul3A_166, %while3A_136 : i32
      %add3A_168 = arith.constant 1 : i32
      %add3A_169 = arith.addi %mul3A_167, %add3A_168 : i32
      %dma_wait3A_170 = arith.constant 0 : i32
      %dma_wait3A_171 = arith.constant 0 : i32
      %dma_wait3A_172 = tpu.memref_slice %arg3[%dma_wait3A_170, %dma_wait3A_171] : memref<10000x128xf32, #tpu.memory_space<hbm>> -> memref<10000x128xf32, #tpu.memory_space<hbm>>
      tpu.wait_indirect_dma semaphore(%arg18 : memref<!tpu.dma_semaphore, #tpu.memory_space<semaphore_mem>>) src(%dma_wait3A_172 : memref<10000x128xf32, #tpu.memory_space<hbm>>) dst(%arg11 : memref<128x128xf32, #tpu.memory_space<vmem>>)
      %dma_wait3A_173 = arith.constant 0 : i32
      %dma_wait3A_174 = tpu.memref_slice %arg2[%dma_wait3A_173] : memref<640000xi32, #tpu.memory_space<hbm>> -> memref<128xi32, #tpu.memory_space<hbm>>
      %dma_wait3A_175 = arith.constant 0 : i32
      %dma_wait3A_176 = tpu.memref_slice %arg2[%dma_wait3A_175] : memref<640000xi32, #tpu.memory_space<hbm>> -> memref<128xi32, #tpu.memory_space<hbm>>
      tpu.wait_dma2 semaphore(%arg15 : memref<!tpu.dma_semaphore, #tpu.memory_space<semaphore_mem>>) src(%dma_wait3A_176 : memref<128xi32, #tpu.memory_space<hbm>>) dst(%arg6 : memref<128xi32, #tpu.memory_space<vmem>>)
      %dma_wait3A_177 = arith.constant 0 : i32
      %dma_wait3A_178 = tpu.memref_slice %arg2[%dma_wait3A_177] : memref<640000xi32, #tpu.memory_space<hbm>> -> memref<128xi32, #tpu.memory_space<hbm>>
      %dma_wait3A_179 = arith.constant 0 : i32
      %dma_wait3A_180 = tpu.memref_slice %arg2[%dma_wait3A_179] : memref<640000xi32, #tpu.memory_space<hbm>> -> memref<128xi32, #tpu.memory_space<hbm>>
      tpu.wait_dma2 semaphore(%arg15 : memref<!tpu.dma_semaphore, #tpu.memory_space<semaphore_mem>>) src(%dma_wait3A_180 : memref<128xi32, #tpu.memory_space<hbm>>) dst(%arg8 : memref<128xi32, #tpu.memory_space<vmem>>)
      %dma_start3A_181 = arith.constant 0 : i32
      %dma_start3A_182 = arith.constant 0 : i32
      %dma_start3A_183 = tpu.memref_slice %arg3[%dma_start3A_181, %dma_start3A_182] : memref<10000x128xf32, #tpu.memory_space<hbm>> -> memref<10000x128xf32, #tpu.memory_space<hbm>>
      tpu.enqueue_indirect_dma source(%dma_start3A_183 : memref<10000x128xf32, #tpu.memory_space<hbm>>) target(%arg10 : memref<128x128xf32, #tpu.memory_space<vmem>>) offsets(%arg6 : memref<128xi32, #tpu.memory_space<vmem>>) semaphore(%arg17 : memref<!tpu.dma_semaphore, #tpu.memory_space<semaphore_mem>>)
      "tpu.region"() ({
        %run_scoped3A = tpu.sem_alloc : memref<!tpu.dma_semaphore, #tpu.memory_space<semaphore_mem>>
        %dma_start3A_195 = arith.constant 0 : i32
        %dma_start3A_196 = arith.constant 0 : i32
        %dma_start3A_197 = tpu.memref_slice %arg13[%dma_start3A_195, %dma_start3A_196] : memref<10240x128xf32, #tpu.memory_space<vmem_shared>> -> memref<10240x128xf32, #tpu.memory_space<vmem_shared>>
        tpu.enqueue_indirect_dma source(%arg11 : memref<128x128xf32, #tpu.memory_space<vmem>>) target(%dma_start3A_197 : memref<10240x128xf32, #tpu.memory_space<vmem_shared>>) offsets(%arg9 : memref<128xi32, #tpu.memory_space<vmem>>) semaphore(%run_scoped3A : memref<!tpu.dma_semaphore, #tpu.memory_space<semaphore_mem>>) {add = true}
        %dma_wait3A_198 = arith.constant 0 : i32
        %dma_wait3A_199 = arith.constant 0 : i32
        %dma_wait3A_200 = tpu.memref_slice %arg13[%dma_wait3A_198, %dma_wait3A_199] : memref<10240x128xf32, #tpu.memory_space<vmem_shared>> -> memref<10240x128xf32, #tpu.memory_space<vmem_shared>>
        tpu.wait_indirect_dma semaphore(%run_scoped3A : memref<!tpu.dma_semaphore, #tpu.memory_space<semaphore_mem>>) src(%arg11 : memref<128x128xf32, #tpu.memory_space<vmem>>) dst(%dma_wait3A_200 : memref<10240x128xf32, #tpu.memory_space<vmem_shared>>)
        tpu.yield
      }) : () -> ()
      "tpu.region"() ({
        %run_scoped3A = tpu.sem_alloc : memref<!tpu.dma_semaphore, #tpu.memory_space<semaphore_mem>>
        %dma_start3A_195 = arith.constant 0 : i32
        %dma_start3A_196 = arith.constant 0 : i32
        %dma_start3A_197 = tpu.memref_slice %arg14[%dma_start3A_195, %dma_start3A_196] : memref<10240x16xf32, #tpu.memory_space<vmem_shared>> -> memref<10240x16xf32, #tpu.memory_space<vmem_shared>>
        tpu.enqueue_indirect_dma source(%arg12 : memref<128x16xf32, #tpu.memory_space<vmem>>) target(%dma_start3A_197 : memref<10240x16xf32, #tpu.memory_space<vmem_shared>>) offsets(%arg9 : memref<128xi32, #tpu.memory_space<vmem>>) semaphore(%run_scoped3A : memref<!tpu.dma_semaphore, #tpu.memory_space<semaphore_mem>>) {add = true}
        %dma_wait3A_198 = arith.constant 0 : i32
        %dma_wait3A_199 = arith.constant 0 : i32
        %dma_wait3A_200 = tpu.memref_slice %arg14[%dma_wait3A_198, %dma_wait3A_199] : memref<10240x16xf32, #tpu.memory_space<vmem_shared>> -> memref<10240x16xf32, #tpu.memory_space<vmem_shared>>
        tpu.wait_indirect_dma semaphore(%run_scoped3A : memref<!tpu.dma_semaphore, #tpu.memory_space<semaphore_mem>>) src(%arg12 : memref<128x16xf32, #tpu.memory_space<vmem>>) dst(%dma_wait3A_200 : memref<10240x16xf32, #tpu.memory_space<vmem_shared>>)
        tpu.yield
      }) : () -> ()
      %add3A_184 = arith.constant 2 : i32
      %add3A_185 = arith.addi %add3A_169, %add3A_184 : i32
      %add3A_186 = arith.addi %select_n3A_16, %add3A_185 : i32
      %mul3A_187 = arith.constant 128 : i32
      %mul3A_188 = arith.muli %add3A_186, %mul3A_187 : i32
      %dma_start3A_189 = tpu.memref_slice %arg2[%mul3A_188] : memref<640000xi32, #tpu.memory_space<hbm>> -> memref<128xi32, #tpu.memory_space<hbm>>
      %dma_start3A_190 = tpu.memref_slice %arg2[%mul3A_188] : memref<640000xi32, #tpu.memory_space<hbm>> -> memref<128xi32, #tpu.memory_space<hbm>>
      tpu.enqueue_dma source(%dma_start3A_190 : memref<128xi32, #tpu.memory_space<hbm>>) target(%arg7 : memref<128xi32, #tpu.memory_space<vmem>>) target_semaphore(%arg16 : memref<!tpu.dma_semaphore, #tpu.memory_space<semaphore_mem>>)
      %add3A_191 = arith.constant 320000 : i32
      %add3A_192 = arith.addi %add3A_191, %mul3A_188 : i32
      %dma_start3A_193 = tpu.memref_slice %arg2[%add3A_192] : memref<640000xi32, #tpu.memory_space<hbm>> -> memref<128xi32, #tpu.memory_space<hbm>>
      %dma_start3A_194 = tpu.memref_slice %arg2[%add3A_192] : memref<640000xi32, #tpu.memory_space<hbm>> -> memref<128xi32, #tpu.memory_space<hbm>>
      tpu.enqueue_dma source(%dma_start3A_194 : memref<128xi32, #tpu.memory_space<hbm>>) target(%arg9 : memref<128xi32, #tpu.memory_space<vmem>>) target_semaphore(%arg16 : memref<!tpu.dma_semaphore, #tpu.memory_space<semaphore_mem>>)
    }
    %dma_wait3A_110 = arith.constant 0 : i32
    %dma_wait3A_111 = arith.constant 0 : i32
    %dma_wait3A_112 = tpu.memref_slice %arg3[%dma_wait3A_110, %dma_wait3A_111] : memref<10000x128xf32, #tpu.memory_space<hbm>> -> memref<10000x128xf32, #tpu.memory_space<hbm>>
    tpu.wait_indirect_dma semaphore(%arg17 : memref<!tpu.dma_semaphore, #tpu.memory_space<semaphore_mem>>) src(%dma_wait3A_112 : memref<10000x128xf32, #tpu.memory_space<hbm>>) dst(%arg10 : memref<128x128xf32, #tpu.memory_space<vmem>>)
    %dma_wait3A_113 = arith.constant 0 : i32
    %dma_wait3A_114 = tpu.memref_slice %arg2[%dma_wait3A_113] : memref<640000xi32, #tpu.memory_space<hbm>> -> memref<128xi32, #tpu.memory_space<hbm>>
    %dma_wait3A_115 = arith.constant 0 : i32
    %dma_wait3A_116 = tpu.memref_slice %arg2[%dma_wait3A_115] : memref<640000xi32, #tpu.memory_space<hbm>> -> memref<128xi32, #tpu.memory_space<hbm>>
    tpu.wait_dma2 semaphore(%arg16 : memref<!tpu.dma_semaphore, #tpu.memory_space<semaphore_mem>>) src(%dma_wait3A_116 : memref<128xi32, #tpu.memory_space<hbm>>) dst(%arg7 : memref<128xi32, #tpu.memory_space<vmem>>)
    %dma_wait3A_117 = arith.constant 0 : i32
    %dma_wait3A_118 = tpu.memref_slice %arg2[%dma_wait3A_117] : memref<640000xi32, #tpu.memory_space<hbm>> -> memref<128xi32, #tpu.memory_space<hbm>>
    %dma_wait3A_119 = arith.constant 0 : i32
    %dma_wait3A_120 = tpu.memref_slice %arg2[%dma_wait3A_119] : memref<640000xi32, #tpu.memory_space<hbm>> -> memref<128xi32, #tpu.memory_space<hbm>>
    tpu.wait_dma2 semaphore(%arg16 : memref<!tpu.dma_semaphore, #tpu.memory_space<semaphore_mem>>) src(%dma_wait3A_120 : memref<128xi32, #tpu.memory_space<hbm>>) dst(%arg9 : memref<128xi32, #tpu.memory_space<vmem>>)
    %dma_start3A_121 = arith.constant 0 : i32
    %dma_start3A_122 = arith.constant 0 : i32
    %dma_start3A_123 = tpu.memref_slice %arg3[%dma_start3A_121, %dma_start3A_122] : memref<10000x128xf32, #tpu.memory_space<hbm>> -> memref<10000x128xf32, #tpu.memory_space<hbm>>
    tpu.enqueue_indirect_dma source(%dma_start3A_123 : memref<10000x128xf32, #tpu.memory_space<hbm>>) target(%arg11 : memref<128x128xf32, #tpu.memory_space<vmem>>) offsets(%arg7 : memref<128xi32, #tpu.memory_space<vmem>>) semaphore(%arg18 : memref<!tpu.dma_semaphore, #tpu.memory_space<semaphore_mem>>)
    "tpu.region"() ({
      %run_scoped3A = tpu.sem_alloc : memref<!tpu.dma_semaphore, #tpu.memory_space<semaphore_mem>>
      %dma_start3A_136 = arith.constant 0 : i32
      %dma_start3A_137 = arith.constant 0 : i32
      %dma_start3A_138 = tpu.memref_slice %arg13[%dma_start3A_136, %dma_start3A_137] : memref<10240x128xf32, #tpu.memory_space<vmem_shared>> -> memref<10240x128xf32, #tpu.memory_space<vmem_shared>>
      tpu.enqueue_indirect_dma source(%arg10 : memref<128x128xf32, #tpu.memory_space<vmem>>) target(%dma_start3A_138 : memref<10240x128xf32, #tpu.memory_space<vmem_shared>>) offsets(%arg8 : memref<128xi32, #tpu.memory_space<vmem>>) semaphore(%run_scoped3A : memref<!tpu.dma_semaphore, #tpu.memory_space<semaphore_mem>>) {add = true}
      %dma_wait3A_139 = arith.constant 0 : i32
      %dma_wait3A_140 = arith.constant 0 : i32
      %dma_wait3A_141 = tpu.memref_slice %arg13[%dma_wait3A_139, %dma_wait3A_140] : memref<10240x128xf32, #tpu.memory_space<vmem_shared>> -> memref<10240x128xf32, #tpu.memory_space<vmem_shared>>
      tpu.wait_indirect_dma semaphore(%run_scoped3A : memref<!tpu.dma_semaphore, #tpu.memory_space<semaphore_mem>>) src(%arg10 : memref<128x128xf32, #tpu.memory_space<vmem>>) dst(%dma_wait3A_141 : memref<10240x128xf32, #tpu.memory_space<vmem_shared>>)
      tpu.yield
    }) : () -> ()
    "tpu.region"() ({
      %run_scoped3A = tpu.sem_alloc : memref<!tpu.dma_semaphore, #tpu.memory_space<semaphore_mem>>
      %dma_start3A_136 = arith.constant 0 : i32
      %dma_start3A_137 = arith.constant 0 : i32
      %dma_start3A_138 = tpu.memref_slice %arg14[%dma_start3A_136, %dma_start3A_137] : memref<10240x16xf32, #tpu.memory_space<vmem_shared>> -> memref<10240x16xf32, #tpu.memory_space<vmem_shared>>
      tpu.enqueue_indirect_dma source(%arg12 : memref<128x16xf32, #tpu.memory_space<vmem>>) target(%dma_start3A_138 : memref<10240x16xf32, #tpu.memory_space<vmem_shared>>) offsets(%arg8 : memref<128xi32, #tpu.memory_space<vmem>>) semaphore(%run_scoped3A : memref<!tpu.dma_semaphore, #tpu.memory_space<semaphore_mem>>) {add = true}
      %dma_wait3A_139 = arith.constant 0 : i32
      %dma_wait3A_140 = arith.constant 0 : i32
      %dma_wait3A_141 = tpu.memref_slice %arg14[%dma_wait3A_139, %dma_wait3A_140] : memref<10240x16xf32, #tpu.memory_space<vmem_shared>> -> memref<10240x16xf32, #tpu.memory_space<vmem_shared>>
      tpu.wait_indirect_dma semaphore(%run_scoped3A : memref<!tpu.dma_semaphore, #tpu.memory_space<semaphore_mem>>) src(%arg12 : memref<128x16xf32, #tpu.memory_space<vmem>>) dst(%dma_wait3A_141 : memref<10240x16xf32, #tpu.memory_space<vmem_shared>>)
      tpu.yield
    }) : () -> ()
    %dma_wait3A_124 = arith.constant 0 : i32
    %dma_wait3A_125 = arith.constant 0 : i32
    %dma_wait3A_126 = tpu.memref_slice %arg3[%dma_wait3A_124, %dma_wait3A_125] : memref<10000x128xf32, #tpu.memory_space<hbm>> -> memref<10000x128xf32, #tpu.memory_space<hbm>>
    tpu.wait_indirect_dma semaphore(%arg18 : memref<!tpu.dma_semaphore, #tpu.memory_space<semaphore_mem>>) src(%dma_wait3A_126 : memref<10000x128xf32, #tpu.memory_space<hbm>>) dst(%arg11 : memref<128x128xf32, #tpu.memory_space<vmem>>)
    "tpu.region"() ({
      %run_scoped3A = tpu.sem_alloc : memref<!tpu.dma_semaphore, #tpu.memory_space<semaphore_mem>>
      %dma_start3A_136 = arith.constant 0 : i32
      %dma_start3A_137 = arith.constant 0 : i32
      %dma_start3A_138 = tpu.memref_slice %arg13[%dma_start3A_136, %dma_start3A_137] : memref<10240x128xf32, #tpu.memory_space<vmem_shared>> -> memref<10240x128xf32, #tpu.memory_space<vmem_shared>>
      tpu.enqueue_indirect_dma source(%arg11 : memref<128x128xf32, #tpu.memory_space<vmem>>) target(%dma_start3A_138 : memref<10240x128xf32, #tpu.memory_space<vmem_shared>>) offsets(%arg9 : memref<128xi32, #tpu.memory_space<vmem>>) semaphore(%run_scoped3A : memref<!tpu.dma_semaphore, #tpu.memory_space<semaphore_mem>>) {add = true}
      %dma_wait3A_139 = arith.constant 0 : i32
      %dma_wait3A_140 = arith.constant 0 : i32
      %dma_wait3A_141 = tpu.memref_slice %arg13[%dma_wait3A_139, %dma_wait3A_140] : memref<10240x128xf32, #tpu.memory_space<vmem_shared>> -> memref<10240x128xf32, #tpu.memory_space<vmem_shared>>
      tpu.wait_indirect_dma semaphore(%run_scoped3A : memref<!tpu.dma_semaphore, #tpu.memory_space<semaphore_mem>>) src(%arg11 : memref<128x128xf32, #tpu.memory_space<vmem>>) dst(%dma_wait3A_141 : memref<10240x128xf32, #tpu.memory_space<vmem_shared>>)
      tpu.yield
    }) : () -> ()
    "tpu.region"() ({
      %run_scoped3A = tpu.sem_alloc : memref<!tpu.dma_semaphore, #tpu.memory_space<semaphore_mem>>
      %dma_start3A_136 = arith.constant 0 : i32
      %dma_start3A_137 = arith.constant 0 : i32
      %dma_start3A_138 = tpu.memref_slice %arg14[%dma_start3A_136, %dma_start3A_137] : memref<10240x16xf32, #tpu.memory_space<vmem_shared>> -> memref<10240x16xf32, #tpu.memory_space<vmem_shared>>
      tpu.enqueue_indirect_dma source(%arg12 : memref<128x16xf32, #tpu.memory_space<vmem>>) target(%dma_start3A_138 : memref<10240x16xf32, #tpu.memory_space<vmem_shared>>) offsets(%arg9 : memref<128xi32, #tpu.memory_space<vmem>>) semaphore(%run_scoped3A : memref<!tpu.dma_semaphore, #tpu.memory_space<semaphore_mem>>) {add = true}
      %dma_wait3A_139 = arith.constant 0 : i32
      %dma_wait3A_140 = arith.constant 0 : i32
      %dma_wait3A_141 = tpu.memref_slice %arg14[%dma_wait3A_139, %dma_wait3A_140] : memref<10240x16xf32, #tpu.memory_space<vmem_shared>> -> memref<10240x16xf32, #tpu.memory_space<vmem_shared>>
      tpu.wait_indirect_dma semaphore(%run_scoped3A : memref<!tpu.dma_semaphore, #tpu.memory_space<semaphore_mem>>) src(%arg12 : memref<128x16xf32, #tpu.memory_space<vmem>>) dst(%dma_wait3A_141 : memref<10240x16xf32, #tpu.memory_space<vmem_shared>>)
      tpu.yield
    }) : () -> ()
    %barrier3A_127 = arith.constant 0 : index
    tpu.barrier barrier_id(%barrier3A_127)
    %mul3A_128 = arith.constant 640 : i32
    %mul3A_129 = arith.muli %arg1, %mul3A_128 : i32
    %mul3A_130 = arith.constant 640 : i32
    %mul3A_131 = arith.muli %arg1, %mul3A_130 : i32
    "tpu.region"() ({
      %run_scoped3A = tpu.sem_alloc : memref<!tpu.dma_semaphore, #tpu.memory_space<semaphore_mem>>
      %dma_start3A_136 = arith.constant 0 : i32
      %dma_start3A_137 = tpu.memref_slice %arg4[%arg0, %mul3A_131, %dma_start3A_136] : memref<2x10240x128xf32, #tpu.memory_space<hbm>> -> memref<1x640x128xf32, #tpu.memory_space<hbm>>
      %dma_start3A_138 = tpu.memref_squeeze %dma_start3A_137 : memref<1x640x128xf32, #tpu.memory_space<hbm>> -> memref<640x128xf32, #tpu.memory_space<hbm>>
      %dma_start3A_139 = arith.constant 0 : i32
      %dma_start3A_140 = tpu.memref_slice %arg13[%mul3A_129, %dma_start3A_139] : memref<10240x128xf32, #tpu.memory_space<vmem_shared>> -> memref<640x128xf32, #tpu.memory_space<vmem_shared>>
      tpu.enqueue_dma source(%dma_start3A_140 : memref<640x128xf32, #tpu.memory_space<vmem_shared>>) target(%dma_start3A_138 : memref<640x128xf32, #tpu.memory_space<hbm>>) target_semaphore(%run_scoped3A : memref<!tpu.dma_semaphore, #tpu.memory_space<semaphore_mem>>)
      %dma_wait3A_141 = arith.constant 0 : i32
      %dma_wait3A_142 = tpu.memref_slice %arg4[%arg0, %mul3A_131, %dma_wait3A_141] : memref<2x10240x128xf32, #tpu.memory_space<hbm>> -> memref<1x640x128xf32, #tpu.memory_space<hbm>>
      %dma_wait3A_143 = tpu.memref_squeeze %dma_wait3A_142 : memref<1x640x128xf32, #tpu.memory_space<hbm>> -> memref<640x128xf32, #tpu.memory_space<hbm>>
      %dma_wait3A_144 = arith.constant 0 : i32
      %dma_wait3A_145 = tpu.memref_slice %arg13[%mul3A_129, %dma_wait3A_144] : memref<10240x128xf32, #tpu.memory_space<vmem_shared>> -> memref<640x128xf32, #tpu.memory_space<vmem_shared>>
      tpu.wait_dma2 semaphore(%run_scoped3A : memref<!tpu.dma_semaphore, #tpu.memory_space<semaphore_mem>>) src(%dma_wait3A_145 : memref<640x128xf32, #tpu.memory_space<vmem_shared>>) dst(%dma_wait3A_143 : memref<640x128xf32, #tpu.memory_space<hbm>>)
      tpu.yield
    }) : () -> ()
    %mul3A_132 = arith.constant 640 : i32
    %mul3A_133 = arith.muli %arg1, %mul3A_132 : i32
    %mul3A_134 = arith.constant 640 : i32
    %mul3A_135 = arith.muli %arg1, %mul3A_134 : i32
    "tpu.region"() ({
      %run_scoped3A = tpu.sem_alloc : memref<!tpu.dma_semaphore, #tpu.memory_space<semaphore_mem>>
      %dma_start3A_136 = arith.constant 0 : i32
      %dma_start3A_137 = tpu.memref_slice %arg5[%arg0, %mul3A_135, %dma_start3A_136] : memref<2x10240x16xf32, #tpu.memory_space<hbm>> -> memref<1x640x16xf32, #tpu.memory_space<hbm>>
      %dma_start3A_138 = tpu.memref_squeeze %dma_start3A_137 : memref<1x640x16xf32, #tpu.memory_space<hbm>> -> memref<640x16xf32, #tpu.memory_space<hbm>>
      %dma_start3A_139 = arith.constant 0 : i32
      %dma_start3A_140 = tpu.memref_slice %arg14[%mul3A_133, %dma_start3A_139] : memref<10240x16xf32, #tpu.memory_space<vmem_shared>> -> memref<640x16xf32, #tpu.memory_space<vmem_shared>>
      tpu.enqueue_dma source(%dma_start3A_140 : memref<640x16xf32, #tpu.memory_space<vmem_shared>>) target(%dma_start3A_138 : memref<640x16xf32, #tpu.memory_space<hbm>>) target_semaphore(%run_scoped3A : memref<!tpu.dma_semaphore, #tpu.memory_space<semaphore_mem>>)
      %dma_wait3A_141 = arith.constant 0 : i32
      %dma_wait3A_142 = tpu.memref_slice %arg5[%arg0, %mul3A_135, %dma_wait3A_141] : memref<2x10240x16xf32, #tpu.memory_space<hbm>> -> memref<1x640x16xf32, #tpu.memory_space<hbm>>
      %dma_wait3A_143 = tpu.memref_squeeze %dma_wait3A_142 : memref<1x640x16xf32, #tpu.memory_space<hbm>> -> memref<640x16xf32, #tpu.memory_space<hbm>>
      %dma_wait3A_144 = arith.constant 0 : i32
      %dma_wait3A_145 = tpu.memref_slice %arg14[%mul3A_133, %dma_wait3A_144] : memref<10240x16xf32, #tpu.memory_space<vmem_shared>> -> memref<640x16xf32, #tpu.memory_space<vmem_shared>>
      tpu.wait_dma2 semaphore(%run_scoped3A : memref<!tpu.dma_semaphore, #tpu.memory_space<semaphore_mem>>) src(%dma_wait3A_145 : memref<640x16xf32, #tpu.memory_space<vmem_shared>>) dst(%dma_wait3A_143 : memref<640x16xf32, #tpu.memory_space<hbm>>)
      tpu.yield
    }) : () -> ()
    return
  }
}

module attributes {stable_mosaic.version = 14 : i64} {
  func.func @body(%arg0: memref<10000x128xf32, #tpu.memory_space<vmem>>, %arg1: memref<10000x128xf32, #tpu.memory_space<vmem>>) attributes {dimension_semantics = [], scalar_prefetch = 0 : i64, scratch_operands = 0 : i64, tpu.core_type = #tpu.core_type<tc>} {
    %get3A = arith.constant 0 : index
    %get3A_0 = arith.constant 0 : index
    %get3A_1 = vector.load %arg0[%get3A, %get3A_0] : memref<10000x128xf32, #tpu.memory_space<vmem>>, vector<10000x128xf32>
    %log3A = math.log %get3A_1 : vector<10000x128xf32>
    %neg3A = arith.constant 0.000000e+00 : f32
    %neg3A_2 = vector.broadcast %neg3A : f32 to vector<10000x128xf32>
    %neg3A_3 = arith.subf %neg3A_2, %log3A : vector<10000x128xf32>
    %swap3A = arith.constant 0 : index
    %swap3A_4 = arith.constant 0 : index
    %swap3A_5 = vector.load %arg1[%swap3A, %swap3A_4] : memref<10000x128xf32, #tpu.memory_space<vmem>>, vector<10000x128xf32>
    tpu.vector_store %arg1[%swap3A, %swap3A_4], %neg3A_3 {strides = array<i32>} : memref<10000x128xf32, #tpu.memory_space<vmem>>, vector<10000x128xf32>,
    return
  }
}

module attributes {stable_mosaic.version = 14 : i64} {
  func.func @body(%arg0: memref<10000x128xf32, #tpu.memory_space<vmem>>, %arg1: memref<2x10240x128xf32, #tpu.memory_space<vmem>>, %arg2: memref<2x10240x16xf32, #tpu.memory_space<vmem>>, %arg3: memref<10000x1xf32, #tpu.memory_space<vmem>>) attributes {dimension_semantics = [], scalar_prefetch = 0 : i64, scratch_operands = 0 : i64, tpu.core_type = #tpu.core_type<tc>} {
    %get3A = arith.constant 0 : index
    %get3A_0 = arith.constant 0 : index
    %get3A_1 = arith.constant 0 : index
    %get3A_2 = vector.load %arg1[%get3A, %get3A_0, %get3A_1] : memref<2x10240x128xf32, #tpu.memory_space<vmem>>, vector<1x10240x128xf32>
    %get3A_3 = vector.shape_cast %get3A_2 : vector<1x10240x128xf32> to vector<10240x128xf32>
    %get3A_4 = arith.constant 1 : index
    %get3A_5 = arith.constant 0 : index
    %get3A_6 = arith.constant 0 : index
    %get3A_7 = vector.load %arg1[%get3A_4, %get3A_5, %get3A_6] : memref<2x10240x128xf32, #tpu.memory_space<vmem>>, vector<1x10240x128xf32>
    %get3A_8 = vector.shape_cast %get3A_7 : vector<1x10240x128xf32> to vector<10240x128xf32>
    %add3A = arith.addf %get3A_3, %get3A_8 : vector<10240x128xf32>
    %get3A_9 = arith.constant 0 : index
    %get3A_10 = arith.constant 0 : index
    %get3A_11 = arith.constant 0 : index
    %get3A_12 = vector.load %arg2[%get3A_9, %get3A_10, %get3A_11] : memref<2x10240x16xf32, #tpu.memory_space<vmem>>, vector<1x10240x16xf32>
    %get3A_13 = vector.shape_cast %get3A_12 : vector<1x10240x16xf32> to vector<10240x16xf32>
    %get3A_14 = arith.constant 1 : index
    %get3A_15 = arith.constant 0 : index
    %get3A_16 = arith.constant 0 : index
    %get3A_17 = vector.load %arg2[%get3A_14, %get3A_15, %get3A_16] : memref<2x10240x16xf32, #tpu.memory_space<vmem>>, vector<1x10240x16xf32>
    %get3A_18 = vector.shape_cast %get3A_17 : vector<1x10240x16xf32> to vector<10240x16xf32>
    %add3A_19 = arith.addf %get3A_13, %get3A_18 : vector<10240x16xf32>
    %slice3A = vector.extract_strided_slice %add3A_19 {offsets = [0, 0], sizes = [10000, 16], strides = [1, 1]} : vector<10240x16xf32> to vector<10000x16xf32>
    %reduce_sum3A = arith.constant dense<0.000000e+00> : vector<10000xf32>
    %reduce_sum3A_20 = vector.multi_reduction <add>, %slice3A, %reduce_sum3A [1] : vector<10000x16xf32> to vector<10000xf32>
    %get3A_21 = arith.constant 0 : index
    %get3A_22 = arith.constant 0 : index
    %get3A_23 = vector.load %arg0[%get3A_21, %get3A_22] : memref<10000x128xf32, #tpu.memory_space<vmem>>, vector<10000x128xf32>
    %slice3A_24 = vector.extract_strided_slice %add3A {offsets = [0, 0], sizes = [10000, 128], strides = [1, 1]} : vector<10240x128xf32> to vector<10000x128xf32>
    %mul3A = arith.mulf %get3A_23, %slice3A_24 : vector<10000x128xf32>
    %reduce_sum3A_25 = arith.constant dense<0.000000e+00> : vector<10000xf32>
    %reduce_sum3A_26 = vector.multi_reduction <add>, %mul3A, %reduce_sum3A_25 [1] : vector<10000x128xf32> to vector<10000xf32>
    %gt3A = arith.constant 0.000000e+00 : f32
    %gt3A_27 = vector.broadcast %gt3A : f32 to vector<10000xf32>
    %gt3A_28 = arith.cmpf ogt, %reduce_sum3A_20, %gt3A_27 : vector<10000xf32>
    %div3A = arith.divf %reduce_sum3A_26, %reduce_sum3A_20 : vector<10000xf32>
    %jit3A = arith.constant 0.000000e+00 : f32
    %broadcast_in_dim3A = vector.broadcast %jit3A : f32 to vector<10000xf32>
    %select_n3A = arith.select %gt3A_28, %div3A, %broadcast_in_dim3A : vector<10000xi1>, vector<10000xf32>
    %broadcast_in_dim3A_29 = vector.shape_cast %select_n3A : vector<10000xf32> to vector<10000x1xf32>
    %swap3A = arith.constant 0 : index
    %swap3A_30 = arith.constant 0 : index
    %swap3A_31 = vector.load %arg3[%swap3A, %swap3A_30] : memref<10000x1xf32, #tpu.memory_space<vmem>>, vector<10000x1xf32>
    tpu.vector_store %arg3[%swap3A, %swap3A_30], %broadcast_in_dim3A_29 {strides = array<i32>} : memref<10000x1xf32, #tpu.memory_space<vmem>>, vector<10000x1xf32>,
    return
  }
}

</mosaic_0001>

<sc_bundles>
// kernel: kernel.5.cloned.1.call-start
scs
__scs_entry_jumppad:
0x0: {  	(pc) =	sbr.rel $0x88, $3  }
0x1: {  	(tag) =	ssettag $0x0;
	lr =	simm.s32 $0x1  }
0x2: {  	[smem:$0x3F9F] =	sst lr;
	_ =	strace $0xD0000000  }
0x3: {  	_ = 	snop  }
0x4: {  	_ = 	snop  }
0x5: {  	_ = 	snop  }
0x6: {  	_ = 	snop  }
0x7: {  	_ = 	snop  }
__scs_overlays_trampoline_lowered:
0x8: {  	[smem:$0x3FAE] =	sst s0  }
0x9: {  	[smem:$0x3FAF] =	sst s1  }
0xa: {  	[smem:$0x3FB0] =	sst s2  }
0xb: {  	[smem:$0x3FB1] =	sst s3  }
0xc: {  	[smem:$0x3FB2] =	sst s4  }
0xd: {  	[smem:$0x3FB3] =	sst s5  }
0xe: {  	[smem:$0x3FB4] =	sst s6  }
0xf: {  	[smem:$0x3FB5] =	sst s7  }
0x10: {  	[smem:$0x3FB6] =	sst s8  }
0x11: {  	[smem:$0x3FB7] =	sst s9;
	s0 =	simm.s32 @!p0 $0x0  }
0x12: {  	s1 =	sld [smem:$0x3F9D];
	s0 =	simm.s32 @p0 $0x1  }
0x13: {  	[smem:$0x3FB8] =	sst s0;
	s0 =	simm.s32 @!p1 $0x0  }
0x14: {  	s2 =	sld [smem:$0x3F9C];
	s0 =	simm.s32 @p1 $0x1  }
0x15: {  	[smem:$0x3FB9] =	sst s0;
	s0 =	simm.s32 @!p2 $0x0  }
0x16: {  	s3 =	sld [smem:$0x3FDB];
	s0 =	simm.s32 @p2 $0x1  }
0x17: {  	s4 =	simm.s32 $0x1BF5;
	[smem:$0x3FBB] =	sst s0  }
0x18: {  	s0 =	sld [smem:$0x3F9E];
	_ =	swait.ge [sflag:s4], $0x0  }
0x19: {  	s7 =	sld [smem:$0x3F9F]  }
0x1a: {  	s8 =	sadd.s32 $0xFFFFE003, lr  }
0x1b: {  	s9 =	sadd.s32 $0xFFFFFEF7, lr;
	s5 =	simm.s32 $0xFFFFFFFF;
	p2 =	slt.u32 s8, $0xFFFFF086  }
0x1c: {  	p1 =	slt.u32 s9, $0xF7A;
	s5 =	simm.s32 @!p2 $0x0  }
0x1d: {  	s5 =	simm.s32 @p1 $0x1;
	p0 =	seq.s32 s7, s2  }
0x1e: {  	s7 =	smul.u32 @!p0 $0xF7A, s2;
	p2 =	seq.s32 @!p0 s5, $0x0  }
0x1f: {  	s9 =	smul.u32 $0xF7A, s1;
	s8 =	simm.s32 @!p0 $0x1BF5;
	p2 =	por !p2, p0  }
0x20: {  	[sflag:s8] =	ssyncset.s32 @!p0 $0xFFFFF086;
	s6 =	sadd.s32 @!p0 s3, s7;
	s7 =	simm.s32 @!p0 $0x108  }
0x21: {  	s3 =	sadd.s32 s3, s9;
	s6 =	sadd.s32 @!p0 $0x88, s6;
	s7 =	simm.s32 @p2 $0x1082  }
0x22: {  	[simem:s7], [sflag:s8] =	dma.local @!p0 [hbm:s6], $0xF7A  }
0x23: {  	s9 =	sor.u32 $0xD0000000, s2;
	s6 =	simm.s32 $0x108;
	_ =	swait.ge @!p0 [sflag:s8], $0x0  }
0x24: {  	s3 =	sadd.s32 $0x88, s3;
	s6 =	simm.s32 @!p1 $0x1082;
	[sflag:s4] =	ssyncset.s32 $0xFFFFF086  }
0x25: {  	[simem:s6], [sflag:s4] =	dma.local [hbm:s3], $0xF7A  }
0x26: {  	[smem:$0x3F9F] =	sst s1;
	(tag) =	ssettag s2;
	_ =	strace s9  }
0x27: {  	s1 =	sld [smem:$0x3FAF]  }
0x28: {  	s2 =	sld [smem:$0x3FB0]  }
0x29: {  	s4 =	sld [smem:$0x3FB2]  }
0x2a: {  	p0 =	seq.s32 s5, $0x0;
	s5 =	sld [smem:$0x3FB3]  }
0x2b: {  	s6 =	sld [smem:$0x3FB4]  }
0x2c: {  	s7 =	sld [smem:$0x3FB5]  }
0x2d: {  	s3 =	simm.s32 $0x108;
	s8 =	sld [smem:$0x3FB6]  }
0x2e: {  	s3 =	simm.s32 @!p0 $0x1082;
	s9 =	sld [smem:$0x3FB7]  }
0x2f: {  	lr =	sadd.s32 s0, s3;
	s0 =	sld [smem:$0x3FAE]  }
0x30: {  	s3 =	sld [smem:$0x3FB1]  }
0x31: {  	[smem:$0x3FBA] =	sst s10  }
0x32: {  	s10 =	sld [smem:$0x3FB8];
	_ =	sdelay $0x3  }
0x33: {  	p0 =	seq.s32 s10, $0x1;
	s10 =	sld [smem:$0x3FBA];
	_ =	sdelay $0x3  }
0x34: {  	[smem:$0x3FBA] =	sst s10  }
0x35: {  	s10 =	sld [smem:$0x3FB9];
	_ =	sdelay $0x3  }
0x36: {  	p1 =	seq.s32 s10, $0x1;
	s10 =	sld [smem:$0x3FBA];
	_ =	sdelay $0x3  }
0x37: {  	[smem:$0x3FBA] =	sst s10  }
0x38: {  	s10 =	sld [smem:$0x3FBB]  }
0x39: {  	_ = 	snop;
	(pc) =	sbr.ind lr, $3  }
0x3a: {  	_ = 	snop  }
0x3b: {  	_ = 	snop  }
0x3c: {  	p2 =	seq.s32 s10, $0x1;
	s10 =	sld [smem:$0x3FBA]  }
0x3d: {  	_ =	shalt  }
0x3e: {  	_ =	shalt  }
0x3f: {  	_ =	shalt  }
0x40: {  	_ =	shalt  }
0x41: {  	_ =	shalt  }
0x42: {  	_ =	shalt  }
0x43: {  	_ =	shalt  }
0x44: {  	_ =	shalt  }
0x45: {  	_ =	shalt  }
0x46: {  	_ =	shalt  }
0x47: {  	_ =	shalt  }
0x48: {  	_ =	shalt  }
0x49: {  	_ =	shalt  }
0x4a: {  	_ =	shalt  }
0x4b: {  	_ =	shalt  }
0x4c: {  	_ =	shalt  }
0x4d: {  	_ =	shalt  }
0x4e: {  	_ =	shalt  }
0x4f: {  	_ =	shalt  }
0x50: {  	_ =	shalt  }
0x51: {  	_ =	shalt  }
0x52: {  	_ =	shalt  }
0x53: {  	_ =	shalt  }
0x54: {  	_ =	shalt  }
0x55: {  	_ =	shalt  }
0x56: {  	_ =	shalt  }
0x57: {  	_ =	shalt  }
0x58: {  	_ =	shalt  }
0x59: {  	_ =	shalt  }
0x5a: {  	_ =	shalt  }
0x5b: {  	_ =	shalt  }
0x5c: {  	_ =	shalt  }
0x5d: {  	_ =	shalt  }
0x5e: {  	_ =	shalt  }
0x5f: {  	_ =	shalt  }
0x60: {  	_ =	shalt  }
0x61: {  	_ =	shalt  }
0x62: {  	_ =	shalt  }
0x63: {  	_ =	shalt  }
0x64: {  	_ =	shalt  }
0x65: {  	_ =	shalt  }
0x66: {  	_ =	shalt  }
0x67: {  	_ =	shalt  }
0x68: {  	_ =	shalt  }
0x69: {  	_ =	shalt  }
0x6a: {  	_ =	shalt  }
0x6b: {  	_ =	shalt  }
0x6c: {  	_ =	shalt  }
0x6d: {  	_ =	shalt  }
0x6e: {  	_ =	shalt  }
0x6f: {  	_ =	shalt  }
0x70: {  	_ =	shalt  }
0x71: {  	_ =	shalt  }
0x72: {  	_ =	shalt  }
0x73: {  	_ =	shalt  }
0x74: {  	_ =	shalt  }
0x75: {  	_ =	shalt  }
0x76: {  	_ =	shalt  }
0x77: {  	_ =	shalt  }
0x78: {  	_ =	shalt  }
0x79: {  	_ =	shalt  }
0x7a: {  	_ =	shalt  }
0x7b: {  	_ =	shalt  }
0x7c: {  	_ =	shalt  }
0x7d: {  	_ =	shalt  }
0x7e: {  	_ =	shalt  }
0x7f: {  	_ =	shalt  }
0x80: {  	_ =	shalt  }
0x81: {  	_ =	shalt  }
0x82: {  	_ =	shalt  }
0x83: {  	_ =	shalt  }
0x84: {  	_ =	shalt  }
0x85: {  	_ =	shalt  }
0x86: {  	_ =	shalt  }
0x87: {  	_ =	shalt  }
.Lfunc_end0:
.L_simem_size_0:
called_computation_lowered:
.L_overlay_start_0:
0x88: {  	s2 =	sld [smem:$0x3FD9]  }
0x89: {  	s3 =	sld [smem:$0x3FFE];
	_ =	sdelay $0x1  }
0x8a: {  	s1 =	srdreg.scid  }
0x8b: {  	s0 =	sand.u32 $0x1, s1  }
0x8c: {  	s16 =	sshll.u32 s0, $0xA;
	s2 =	sadd.s32 s3, s2  }
0x8d: {  	s2 =	sadd.s32 s2, s16  }
0x8e: {  	[smem:$0x3FC6] =	sst s2  }
0x8f: {  	_ = 	snop  }
0x90: {  	(tm) =	ssettm $0x1  }
0x91: {  	s17 =	sld [smem:$0x3FFB];
	_ =	sdelay $0x3  }
0x92: {  	_ =	strace s17  }
0x93: {  	s2 =	sld [smem:$0x3FFC];
	_ =	sdelay $0x3  }
0x94: {  	_ =	strace s2  }
0x95: {  	s2 =	sld [smem:$0x3FFD];
	_ =	sdelay $0x3  }
0x96: {  	_ =	strace s2  }
0x97: {  	_ =	strace $0x8FFFFFFF  }
0x98: {  	s18 =	sld [smem:$0x3FDB];
	_ =	sdelay $0x1  }
0x99: {  	s19 =	simm.s32 $_scs_section_size  }
0x9a: {  	s4 =	simm.s32 $_size__tile_overlayer_lowered;
	s5 =	simm.s32 $_tile_overlayer_lowered  }
0x9b: {  	s22 =	simm.s32 $0x1BFF;
	s21 =	sshll.u32 s5, $0x1;
	s2 =	sadd.s32 s19, s18  }
0x9c: {  	s6 =	simm.s32 $0x0;
	s20 =	sshll.u32 s4, $0x1;
	s4 =	sadd.s32 s21, s2  }
0x9d: {  	[timem:s6], [sflag:s22] =	dma.local [hbm:s4], s20  }
0x9e: {  	_ =	swait.ge [sflag:s22], s20  }
0x9f: {  	s3 =	ssub.s32 $0x0, s20;
	[sflag:s22] =	ssyncset.done $0x0  }
0xa0: {  	[sflag:s22] =	ssyncadd.s32 s3;
	_ =	sdelay $0x1  }
0xa1: {  	s23 =	simm.s32 $0x1B8B  }
0xa2: {  	_ =	swait.ge [sflag:s23], $0x1  }
0xa3: {  	[sflag:s23] =	ssyncset.done $0x0  }
0xa4: {  	s25 =	simm.s32 $0x1B8E;
	s24 =	sld [smem:$0x3FFE];
	[sflag:s23] =	ssyncadd.s32 $0xFFFFFFFF  }
0xa5: {  	s26 =	simm.s32 $execute0_lowered;
	[smem:$0x3FD2] =	sst s25  }
0xa6: {  	s4 =	sshll.u32 s26, $0x1;
	_ =	strace $0x80000046;
	[dreg:$0x1] =	wrdreg $0xFFFFFFFF  }
0xa7: {  	s28 =	simm.s32 $_size_execute0_lowered;
	s2 =	sadd.s32 s2, s4;
	[dreg:$0x0] =	wrdreg $0x0  }
0xa8: {  	s4 =	sshll.u32 s28, $0x1;
	[dreg:$0x2] =	wrdreg s2  }
0xa9: {  	[dreg:$0x3] =	wrdreg s4  }
0xaa: {  	[dreg:$0x4] =	wrdreg $0xC0  }
0xab: {  	_ =	task [dreg:s6], $0x5FFFF  }
0xac: {  	[dreg:$0x1] =	wrdreg $0xFFFFFFFF  }
0xad: {  	[dreg:$0x0] =	wrdreg $0x60  }
0xae: {  	[dreg:$0x2] =	wrdreg s24  }
0xaf: {  	[dreg:$0x3] =	wrdreg $0x8A000  }
0xb0: {  	[dreg:$0x4] =	wrdreg $0x1CA000  }
0xb1: {  	[dreg:$0x5] =	wrdreg $0x9  }
0xb2: {  	_ =	task.clear_ibuf [dreg:s6], $0x6FFFF;
	_ =	strace $0x90000046  }
0xb3: {  	s29 =	simm.s32 $0x9;
	_ =	strace $0x80000048  }
0xb4: {  	_ =	swait.ge [sflag:s29], $0x1  }
0xb5: {  	[sflag:s29] =	ssyncadd.s32 $0xFFFFFFFF  }
0xb6: {  	_ =	strace $0x90000048  }
0xb7: {  	_ =	sfence  }
0xb8: {  	s30 =	sld [smem:$0x0];
	_ =	sdelay $0x2  }
0xb9: {  	s31 =	sshll.u32 s1, $0xD;
	s1 =	sshrl.u32 s1, $0x2  }
0xba: {  	s3 =	sand.u32 $0x4000, s31;
	s1 =	sadd.s32 s1, s30  }
0xbb: {  	s0 =	sor.u32 s3, s0;
	s1 =	sshll.u32 s1, $0x11  }
0xbc: {  	s0 =	sor.u32 s1, s0  }
0xbd: {  	s0 =	sadd.s32 $0x8F2B, s0  }
0xbe: {  	[sflag:s0] =	ssyncadd.remote.s32 $0x1  }
0xbf: {  	_ =	sfence.sel $0xFFFF  }
0xc0: {  	[dreg:$0x0] =	wrdreg $0xFFFFFFFF;
	(pc) =	sbr.abs _section_cstart, $3  }
0xc1: {  	[dreg:$0x1] =	wrdreg $0xFFFFFFFF  }
0xc2: {  	_ =	task.clear_ibuf [dreg:s6], $0x2FFFF;
	_ =	strace $0x9FFFFFFF  }
0xc3: {  	(tm) =	ssettm $0x7FFFFFFF  }
tec
execute0_lowered:
.L_overlay_start_1:
0x0: {  	(tag) =	ssettag $0x1  }
0x1: {  	s0 =	rddreg [dreg:$0x0]  }
0x2: {  	s1 =	srdreg.scid;
	s14 =	stileid.u32  }
0x3: {  	s2 =	rddreg [dreg:$0x1];
	s6 =	smul.u32 $0x14000, s14  }
0x4: {  	s3 =	rddreg [dreg:$0x2];
	s4 =	simm.s32 $0x0;
	s8 =	smul.u32 $0x2800, s14  }
0x5: {  	s16 =	simm.s32 $0x27;
	s28 =	simm.s32 $0x8200;
	s21 =	smul.u32 $0x4E, s14  }
0x6: {  	s29 =	simm.s32 $0x4;
	s1 =	sand.u32 $0x1, s1;
	s13 =	smul.u32 $0x50000, s14  }
0x7: {  	[smem:$0x7FF] =	sst s4;
	s9 =	sadd.s32 $0xA00, s0;
	s22 =	smul.u32 $0xA000, s14  }
0x8: {  	s11 =	smax.u32 s14, $0xE;
	p1 =	sgt.u32 s14, $0xD;
	s5 =	smul.u32 $0x140000, s1  }
0x9: {  	s7 =	smul.u32 $0x28000, s1;
	_ =	strace $0x80000047;
	s20 =	ssub.s32 $0x2, s1  }
0xa: {  	s11 =	sshll.u32 s11, $0x1;
	p0 =	seq.s32 s1, $0x0;
	s16 =	simm.s32 @!p1 $0x26  }
0xb: {  	s11 =	sadd.s32 $0xFFFFFFE4, s11;
	s12 =	sshrl.u32 s20, $0x1;
	s13 =	sshrl.u32 s13, $0x2  }
0xc: {  	s16 =	simm.s32 @!p0 $0x26;
	s26 =	sadd.s32 s6, s2;
	s30 =	sadd.s32 s8, s3  }
0xd: {  	s10 =	sadd.s32 s6, s5;
	s5 =	sadd.s32 $0x14400, s0;
	s7 =	sadd.s32 s8, s7  }
0xe: {  	s11 =	simm.s32 @!p0 $0x4E4;
	s12 =	ssub.s32 s20, s12;
	s15 =	sadd.s32 s13, s2  }
0xf: {  	[dreg:$0x5] =	wrdreg s16;
	s10 =	sshrl.u32 s10, $0x3;
	s7 =	sshrl.u32 s7, $0x3  }
0x10: {  	s1 =	sadd.s32 s21, s11;
	s8 =	smax.u32 s12, $0x1;
	[dreg:$0x4] =	wrdreg s15  }
0x11: {  	s12 =	sadd.s32 $0x2000, s15;
	s16 =	sadd.s32 $0x4000, s15;
	[dreg:$0xc] =	wrdreg s8  }
0x12: {  	s18 =	sshll.u32 s11, $0x4;
	s21 =	sadd.s32 $0x8000, s15;
	[dreg:$0xd] =	wrdreg s12  }
0x13: {  	s10 =	sadd.s32 s10, s0;
	s0 =	sadd.s32 s7, s0;
	[dreg:$0xe] =	wrdreg s16  }
0x14: {  	s1 =	sshll.u32 s1, $0x4;
	s7 =	sshrl.u32 s22, $0x2;
	[dreg:$0x10] =	wrdreg s21  }
0x15: {  	s22 =	sadd.s32 $0xA000, s15;
	s16 =	simm.s32 $0x5;
	s23 =	sand.u32 $0x1FFFFFE0, s1  }
0x16: {  	s7 =	sadd.s32 s7, s3;
	s1 =	sadd.s32 s9, s1;
	[dreg:$0x13] =	wrdreg s22  }
0x17: {  	s25 =	sadd.s32 $0x45600, s10;
	s0 =	sadd.s32 $0x3B600, s0;
	[dreg:$0x6] =	wrdreg s1  }
0x18: {  	s10 =	smul.u32 $0x2700, s14;
	s22 =	simm.s32 $0x200;
	[dreg:$0xa] =	wrdreg s25  }
0x19: {  	s13 =	sadd.s32 s9, s23;
	s1 =	sadd.s32 $0x10, s1;
	[dreg:$0xb] =	wrdreg s0  }
0x1a: {  	s0 =	sshrl.u32 s30, $0x3;
	s25 =	sadd.s32 $0xE000, s15;
	s30 =	sadd.s32 $0x12000, s15  }
0x1b: {  	s31 =	sadd.s32 $0x400, s7;
	s12 =	sadd.s32 $0x1800, s7;
	[dreg:$0x8] =	wrdreg s1  }
0x1c: {  	s17 =	sadd.s32 $0x9C40, s13;
	s24 =	sadd.s32 $0x9C50, s13;
	[dreg:$0x16] =	wrdreg s0  }
0x1d: {  	s13 =	smul.u32 $0x4E0, s14;
	s14 =	sshll.u32 s11, $0x7;
	[dreg:$0x18] =	wrdreg s25  }
0x1e: {  	s1 =	sshrl.u32 s26, $0x3;
	s26 =	sadd.s32 $0x10000, s15;
	[dreg:$0x1a] =	wrdreg s30  }
0x1f: {  	s0 =	sadd.s32 $0xC00, s7;
	s11 =	sadd.s32 $0x1400, s7;
	[dreg:$0x7] =	wrdreg s17  }
0x20: {  	s25 =	simm.s32 $0x2;
	[dreg:$0x9] =	wrdreg s24;
	s17 =	sadd.s32 $0x6000, s15  }
0x21: {  	s6 =	sadd.s32 s14, s10;
	[dreg:$0x15] =	wrdreg s1;
	s24 =	sadd.s32 $0xC000, s15  }
0x22: {  	[dreg:$0x19] =	wrdreg s26;
	s1 =	sadd.s32 $0x800, s7;
	s14 =	sadd.s32 $0x2000, s7  }
0x23: {  	s15 =	sadd.s32 $0x2400, s7;
	s26 =	simm.s32 $0x4200;
	[dreg:$0xf] =	wrdreg s17  }
0x24: {  	s8 =	sadd.s32 s13, s9;
	s19 =	sadd.s32 $0x4E380, s6;
	s6 =	sadd.s32 $0x4E300, s6  }
0x25: {  	[dreg:$0x17] =	wrdreg s24;
	s13 =	sadd.s32 $0x1C00, s7;
	s17 =	simm.s32 $0x100  }
0x26: {  	s24 =	simm.s32 $0x3;
	s8 =	sadd.s32 s18, s8;
	s20 =	sshrl.u32 s19, $0x3  }
0x27: {  	s6 =	sshrl.u32 s6, $0x3;
	s18 =	simm.s32 $0x80;
	s10 =	sadd.s32 s20, s9  }
0x28: {  	s19 =	simm.s32 $0x1;
	s6 =	sadd.s32 s6, s9;
	[dreg:$0x11] =	wrdreg s10  }
0x29: {  	v0 =	vimm.f32 $0.0e+00;
	vm0 =	vcmask $0x300;
	s23 =	sadd.s32 $0x30, s8;
	s9 =	simm.s32 $0x180;
	[dreg:$0x12] =	wrdreg s6  }
0x2a: {  	v1 =	vsel vm0, $0x3F800000, v0;
	s8 =	simm.s32 $0x0;
	[dreg:$0x14] =	wrdreg s23;
	s10 =	sadd.s32 $0x1000, s7  }
.LBB2_1:
0x2b: {  	[dreg:$0x1b] =	wrdreg s8;
	s6 =	simm.s32 $0x0  }
.LBB2_2:
0x2c: {  	p0 =	sne.s32 s6, $0x1FC0  }
.Ltmp0:
0x2d: {  	_ = 	snop;
	(pc) =	sbr.rel @p0 .LBB2_2-.Ltmp0, $3  }
0x2e: {  	_ =	sdelay $0x1  }
0x2f: {  	s8 =	sshra.s32 s6, $0x2  }
0x30: {  	s6 =	sadd.s32 $0x40, s6;
	[tilespmem:s8+$0x8200] =	vst v1  }
0x31: {  	s6 =	simm.s32 $0x0;
	s8 =	simm.s32 $0x200  }
.LBB2_4:
0x32: {  	p0 =	sne.s32 s8, $0x7E00;
	[tilespmem:s6+$0x270] =	vst v0  }
0x33: {  	[tilespmem:s6+$0x200] =	vst v0  }
0x34: {  	[tilespmem:s6+$0x210] =	vst v0  }
.Ltmp1:
0x35: {  	[tilespmem:s6+$0x220] =	vst v0;
	(pc) =	sbr.rel @p0 .LBB2_4-.Ltmp1, $4  }
0x36: {  	[tilespmem:s6+$0x230] =	vst v0  }
0x37: {  	[tilespmem:s6+$0x240] =	vst v0  }
0x38: {  	[tilespmem:s6+$0x250] =	vst v0  }
0x39: {  	[tilespmem:s6+$0x260] =	vst v0;
	s6 =	sshra.s32 s8, $0x2;
	s8 =	sadd.s32 $0x200, s8  }
0x3a: {  	[tilespmem:s6+$0x270] =	vst v0  }
0x3b: {  	[tilespmem:s6+$0x200] =	vst v0  }
0x3c: {  	[tilespmem:s6+$0x210] =	vst v0  }
0x3d: {  	[tilespmem:s6+$0x220] =	vst v0  }
0x3e: {  	[tilespmem:s6+$0x230] =	vst v0  }
0x3f: {  	[tilespmem:s6+$0x240] =	vst v0  }
0x40: {  	[tilespmem:s6+$0x250] =	vst v0  }
0x41: {  	[tilespmem:s6+$0x260] =	vst v0;
	s6 =	simm.s32 $0x200;
	s8 =	rddreg [dreg:$0x4]  }
0x42: {  	[spmem:s8] =	stream.linear.scatter [tilespmem:s6], [sflag:$0x5], $0x2000, $0x38;
	[tilespmem:$0x1F200] =	vst v63  }
0x43: {  	_ =	swait.ge [sflag:s16], $0x2000  }
0x44: {  	[sflag:s16] =	ssyncset.done $0x0  }
0x45: {  	s23 =	rddreg [dreg:$0xd];
	[sflag:s16] =	ssyncadd.s32 $0xFFFFE000  }
0x46: {  	[spmem:s23] =	stream.linear.scatter [tilespmem:s6], [sflag:$0x5], $0x2000, $0x38;
	[tilespmem:$0x1F200] =	vst v63  }
0x47: {  	_ =	swait.ge [sflag:s16], $0x2000  }
0x48: {  	[sflag:s16] =	ssyncset.done $0x0  }
0x49: {  	s30 =	rddreg [dreg:$0xe];
	[sflag:s16] =	ssyncadd.s32 $0xFFFFE000  }
0x4a: {  	[spmem:s30] =	stream.linear.scatter [tilespmem:s6], [sflag:$0x5], $0x2000, $0x38;
	[tilespmem:$0x1F200] =	vst v63  }
0x4b: {  	_ =	swait.ge [sflag:s16], $0x2000  }
0x4c: {  	[sflag:s16] =	ssyncset.done $0x0  }
0x4d: {  	s20 =	rddreg [dreg:$0xf];
	[sflag:s16] =	ssyncadd.s32 $0xFFFFE000  }
0x4e: {  	[spmem:s20] =	stream.linear.scatter [tilespmem:s6], [sflag:$0x5], $0x2000, $0x38;
	[tilespmem:$0x1F200] =	vst v63  }
0x4f: {  	_ =	swait.ge [sflag:s16], $0x2000  }
0x50: {  	[sflag:s16] =	ssyncset.done $0x0  }
0x51: {  	s21 =	rddreg [dreg:$0x10];
	[sflag:s16] =	ssyncadd.s32 $0xFFFFE000  }
0x52: {  	[spmem:s21] =	stream.linear.scatter [tilespmem:s6], [sflag:$0x5], $0x2000, $0x38;
	[tilespmem:$0x1F200] =	vst v63  }
0x53: {  	_ =	swait.ge [sflag:s16], $0x2000  }
0x54: {  	[sflag:s16] =	ssyncset.done $0x0  }
0x55: {  	s23 =	rddreg [dreg:$0x13];
	[sflag:s16] =	ssyncadd.s32 $0xFFFFE000  }
0x56: {  	[spmem:s23] =	stream.linear.scatter [tilespmem:s6], [sflag:$0x5], $0x2000, $0x38;
	[tilespmem:$0x1F200] =	vst v63  }
0x57: {  	_ =	swait.ge [sflag:s16], $0x2000  }
0x58: {  	[sflag:s16] =	ssyncset.done $0x0  }
0x59: {  	s30 =	rddreg [dreg:$0x17];
	[sflag:s16] =	ssyncadd.s32 $0xFFFFE000  }
0x5a: {  	[spmem:s30] =	stream.linear.scatter [tilespmem:s6], [sflag:$0x5], $0x2000, $0x38;
	[tilespmem:$0x1F200] =	vst v63  }
0x5b: {  	_ =	swait.ge [sflag:s16], $0x2000  }
0x5c: {  	[sflag:s16] =	ssyncset.done $0x0  }
0x5d: {  	s20 =	rddreg [dreg:$0x18];
	[sflag:s16] =	ssyncadd.s32 $0xFFFFE000  }
0x5e: {  	[spmem:s20] =	stream.linear.scatter [tilespmem:s6], [sflag:$0x5], $0x2000, $0x38;
	[tilespmem:$0x1F200] =	vst v63  }
0x5f: {  	_ =	swait.ge [sflag:s16], $0x2000  }
0x60: {  	[sflag:s16] =	ssyncset.done $0x0  }
0x61: {  	s21 =	rddreg [dreg:$0x19];
	[sflag:s16] =	ssyncadd.s32 $0xFFFFE000  }
0x62: {  	[spmem:s21] =	stream.linear.scatter [tilespmem:s6], [sflag:$0x5], $0x2000, $0x38;
	[tilespmem:$0x1F200] =	vst v63  }
0x63: {  	_ =	swait.ge [sflag:s16], $0x2000  }
0x64: {  	[sflag:s16] =	ssyncset.done $0x0  }
0x65: {  	s23 =	rddreg [dreg:$0x1a];
	[sflag:s16] =	ssyncadd.s32 $0xFFFFE000  }
0x66: {  	[spmem:s23] =	stream.linear.scatter [tilespmem:s6], [sflag:$0x5], $0x2000, $0x38;
	[tilespmem:$0x1F200] =	vst v63  }
0x67: {  	_ =	swait.ge [sflag:s16], $0x2000  }
0x68: {  	[sflag:s16] =	ssyncset.done $0x0  }
0x69: {  	s8 =	simm.s32 $0x40;
	s30 =	sadd.s32 $0x0, s7;
	[sflag:s16] =	ssyncadd.s32 $0xFFFFE000  }
0x6a: {  	[spmem:s30] =	stream.linear.scatter [tilespmem:s6], [sflag:$0x5], $0x10, $0x38;
	[tilespmem:$0x1F200] =	vst v63  }
.LBB2_6:
0x6b: {  	p0 =	sne.s32 s8, $0xFC0  }
.Ltmp2:
0x6c: {  	_ = 	snop;
	(pc) =	sbr.rel @p0 .LBB2_6-.Ltmp2, $4  }
0x6d: {  	_ = 	snop  }
0x6e: {  	s20 =	sshra.s32 s8, $0x2;
	s8 =	sadd.s32 $0x40, s8  }
0x6f: {  	s6 =	sadd.s32 $0x80, s6;
	s20 =	sadd.s32 s20, s7  }
0x70: {  	[spmem:s20] =	stream.linear.scatter [tilespmem:s6], [sflag:$0x5], $0x10, $0x38;
	[tilespmem:$0x1F200] =	vst v63  }
0x71: {  	_ =	swait.ge [sflag:s16], $0x400  }
0x72: {  	[sflag:s16] =	ssyncset.done $0x0  }
0x73: {  	s6 =	simm.s32 $0x200;
	s8 =	sadd.s32 $0x0, s31;
	[sflag:s16] =	ssyncadd.s32 $0xFFFFFC00  }
0x74: {  	[spmem:s8] =	stream.linear.scatter [tilespmem:s6], [sflag:$0x5], $0x10, $0x38;
	[tilespmem:$0x1F200] =	vst v63  }
0x75: {  	s8 =	simm.s32 $0x40  }
.LBB2_8:
0x76: {  	p0 =	sne.s32 s8, $0xFC0  }
.Ltmp3:
0x77: {  	_ = 	snop;
	(pc) =	sbr.rel @p0 .LBB2_8-.Ltmp3, $4  }
0x78: {  	_ = 	snop  }
0x79: {  	s20 =	sshra.s32 s8, $0x2;
	s8 =	sadd.s32 $0x40, s8  }
0x7a: {  	s6 =	sadd.s32 $0x80, s6;
	s20 =	sadd.s32 s20, s31  }
0x7b: {  	[spmem:s20] =	stream.linear.scatter [tilespmem:s6], [sflag:$0x5], $0x10, $0x38;
	[tilespmem:$0x1F200] =	vst v63  }
0x7c: {  	_ =	swait.ge [sflag:s16], $0x400  }
0x7d: {  	[sflag:s16] =	ssyncset.done $0x0  }
0x7e: {  	s6 =	simm.s32 $0x200;
	s8 =	sadd.s32 $0x0, s1;
	[sflag:s16] =	ssyncadd.s32 $0xFFFFFC00  }
0x7f: {  	[spmem:s8] =	stream.linear.scatter [tilespmem:s6], [sflag:$0x5], $0x10, $0x38;
	[tilespmem:$0x1F200] =	vst v63  }
0x80: {  	s8 =	simm.s32 $0x40  }
.LBB2_10:
0x81: {  	p0 =	sne.s32 s8, $0xFC0  }
.Ltmp4:
0x82: {  	_ = 	snop;
	(pc) =	sbr.rel @p0 .LBB2_10-.Ltmp4, $4  }
0x83: {  	_ = 	snop  }
0x84: {  	s20 =	sshra.s32 s8, $0x2;
	s8 =	sadd.s32 $0x40, s8  }
0x85: {  	s6 =	sadd.s32 $0x80, s6;
	s20 =	sadd.s32 s20, s1  }
0x86: {  	[spmem:s20] =	stream.linear.scatter [tilespmem:s6], [sflag:$0x5], $0x10, $0x38;
	[tilespmem:$0x1F200] =	vst v63  }
0x87: {  	_ =	swait.ge [sflag:s16], $0x400  }
0x88: {  	[sflag:s16] =	ssyncset.done $0x0  }
0x89: {  	s6 =	simm.s32 $0x200;
	s8 =	sadd.s32 $0x0, s0;
	[sflag:s16] =	ssyncadd.s32 $0xFFFFFC00  }
0x8a: {  	[spmem:s8] =	stream.linear.scatter [tilespmem:s6], [sflag:$0x5], $0x10, $0x38;
	[tilespmem:$0x1F200] =	vst v63  }
0x8b: {  	s8 =	simm.s32 $0x40  }
.LBB2_12:
0x8c: {  	p0 =	sne.s32 s8, $0xFC0  }
.Ltmp5:
0x8d: {  	_ = 	snop;
	(pc) =	sbr.rel @p0 .LBB2_12-.Ltmp5, $4  }
0x8e: {  	_ = 	snop  }
0x8f: {  	s20 =	sshra.s32 s8, $0x2;
	s8 =	sadd.s32 $0x40, s8  }
0x90: {  	s6 =	sadd.s32 $0x80, s6;
	s20 =	sadd.s32 s20, s0  }
0x91: {  	[spmem:s20] =	stream.linear.scatter [tilespmem:s6], [sflag:$0x5], $0x10, $0x38;
	[tilespmem:$0x1F200] =	vst v63  }
0x92: {  	_ =	swait.ge [sflag:s16], $0x400  }
0x93: {  	[sflag:s16] =	ssyncset.done $0x0  }
0x94: {  	s6 =	simm.s32 $0x200;
	s8 =	sadd.s32 $0x0, s10;
	[sflag:s16] =	ssyncadd.s32 $0xFFFFFC00  }
0x95: {  	[spmem:s8] =	stream.linear.scatter [tilespmem:s6], [sflag:$0x5], $0x10, $0x38;
	[tilespmem:$0x1F200] =	vst v63  }
0x96: {  	s8 =	simm.s32 $0x40  }
.LBB2_14:
0x97: {  	p0 =	sne.s32 s8, $0xFC0  }
.Ltmp6:
0x98: {  	_ = 	snop;
	(pc) =	sbr.rel @p0 .LBB2_14-.Ltmp6, $4  }
0x99: {  	_ = 	snop  }
0x9a: {  	s20 =	sshra.s32 s8, $0x2;
	s8 =	sadd.s32 $0x40, s8  }
0x9b: {  	s6 =	sadd.s32 $0x80, s6;
	s20 =	sadd.s32 s20, s10  }
0x9c: {  	[spmem:s20] =	stream.linear.scatter [tilespmem:s6], [sflag:$0x5], $0x10, $0x38;
	[tilespmem:$0x1F200] =	vst v63  }
0x9d: {  	_ =	swait.ge [sflag:s16], $0x400  }
0x9e: {  	[sflag:s16] =	ssyncset.done $0x0  }
0x9f: {  	s6 =	simm.s32 $0x200;
	s8 =	sadd.s32 $0x0, s11;
	[sflag:s16] =	ssyncadd.s32 $0xFFFFFC00  }
0xa0: {  	[spmem:s8] =	stream.linear.scatter [tilespmem:s6], [sflag:$0x5], $0x10, $0x38;
	[tilespmem:$0x1F200] =	vst v63  }
0xa1: {  	s8 =	simm.s32 $0x40  }
.LBB2_16:
0xa2: {  	p0 =	sne.s32 s8, $0xFC0  }
.Ltmp7:
0xa3: {  	_ = 	snop;
	(pc) =	sbr.rel @p0 .LBB2_16-.Ltmp7, $4  }
0xa4: {  	_ = 	snop  }
0xa5: {  	s20 =	sshra.s32 s8, $0x2;
	s8 =	sadd.s32 $0x40, s8  }
0xa6: {  	s6 =	sadd.s32 $0x80, s6;
	s20 =	sadd.s32 s20, s11  }
0xa7: {  	[spmem:s20] =	stream.linear.scatter [tilespmem:s6], [sflag:$0x5], $0x10, $0x38;
	[tilespmem:$0x1F200] =	vst v63  }
0xa8: {  	_ =	swait.ge [sflag:s16], $0x400  }
0xa9: {  	[sflag:s16] =	ssyncset.done $0x0  }
0xaa: {  	s6 =	simm.s32 $0x200;
	s8 =	sadd.s32 $0x0, s12;
	[sflag:s16] =	ssyncadd.s32 $0xFFFFFC00  }
0xab: {  	[spmem:s8] =	stream.linear.scatter [tilespmem:s6], [sflag:$0x5], $0x10, $0x38;
	[tilespmem:$0x1F200] =	vst v63  }
0xac: {  	s8 =	simm.s32 $0x40  }
.LBB2_18:
0xad: {  	p0 =	sne.s32 s8, $0xFC0  }
.Ltmp8:
0xae: {  	_ = 	snop;
	(pc) =	sbr.rel @p0 .LBB2_18-.Ltmp8, $4  }
0xaf: {  	_ = 	snop  }
0xb0: {  	s20 =	sshra.s32 s8, $0x2;
	s8 =	sadd.s32 $0x40, s8  }
0xb1: {  	s6 =	sadd.s32 $0x80, s6;
	s20 =	sadd.s32 s20, s12  }
0xb2: {  	[spmem:s20] =	stream.linear.scatter [tilespmem:s6], [sflag:$0x5], $0x10, $0x38;
	[tilespmem:$0x1F200] =	vst v63  }
0xb3: {  	_ =	swait.ge [sflag:s16], $0x400  }
0xb4: {  	[sflag:s16] =	ssyncset.done $0x0  }
0xb5: {  	s6 =	simm.s32 $0x200;
	s8 =	sadd.s32 $0x0, s13;
	[sflag:s16] =	ssyncadd.s32 $0xFFFFFC00  }
0xb6: {  	[spmem:s8] =	stream.linear.scatter [tilespmem:s6], [sflag:$0x5], $0x10, $0x38;
	[tilespmem:$0x1F200] =	vst v63  }
0xb7: {  	s8 =	simm.s32 $0x40  }
.LBB2_20:
0xb8: {  	p0 =	sne.s32 s8, $0xFC0  }
.Ltmp9:
0xb9: {  	_ = 	snop;
	(pc) =	sbr.rel @p0 .LBB2_20-.Ltmp9, $4  }
0xba: {  	_ = 	snop  }
0xbb: {  	s20 =	sshra.s32 s8, $0x2;
	s8 =	sadd.s32 $0x40, s8  }
0xbc: {  	s6 =	sadd.s32 $0x80, s6;
	s20 =	sadd.s32 s20, s13  }
0xbd: {  	[spmem:s20] =	stream.linear.scatter [tilespmem:s6], [sflag:$0x5], $0x10, $0x38;
	[tilespmem:$0x1F200] =	vst v63  }
0xbe: {  	_ =	swait.ge [sflag:s16], $0x400  }
0xbf: {  	[sflag:s16] =	ssyncset.done $0x0  }
0xc0: {  	s6 =	simm.s32 $0x200;
	s8 =	sadd.s32 $0x0, s14;
	[sflag:s16] =	ssyncadd.s32 $0xFFFFFC00  }
0xc1: {  	[spmem:s8] =	stream.linear.scatter [tilespmem:s6], [sflag:$0x5], $0x10, $0x38;
	[tilespmem:$0x1F200] =	vst v63  }
0xc2: {  	s8 =	simm.s32 $0x40  }
.LBB2_22:
0xc3: {  	p0 =	sne.s32 s8, $0xFC0  }
.Ltmp10:
0xc4: {  	_ = 	snop;
	(pc) =	sbr.rel @p0 .LBB2_22-.Ltmp10, $4  }
0xc5: {  	_ = 	snop  }
0xc6: {  	s20 =	sshra.s32 s8, $0x2;
	s8 =	sadd.s32 $0x40, s8  }
0xc7: {  	s6 =	sadd.s32 $0x80, s6;
	s20 =	sadd.s32 s20, s14  }
0xc8: {  	[spmem:s20] =	stream.linear.scatter [tilespmem:s6], [sflag:$0x5], $0x10, $0x38;
	[tilespmem:$0x1F200] =	vst v63  }
0xc9: {  	_ =	swait.ge [sflag:s16], $0x400  }
0xca: {  	[sflag:s16] =	ssyncset.done $0x0  }
0xcb: {  	s6 =	simm.s32 $0x200;
	s8 =	sadd.s32 $0x0, s15;
	[sflag:s16] =	ssyncadd.s32 $0xFFFFFC00  }
0xcc: {  	[spmem:s8] =	stream.linear.scatter [tilespmem:s6], [sflag:$0x5], $0x10, $0x38;
	[tilespmem:$0x1F200] =	vst v63  }
0xcd: {  	s8 =	simm.s32 $0x40  }
.LBB2_24:
0xce: {  	p0 =	sne.s32 s8, $0xFC0  }
.Ltmp11:
0xcf: {  	_ = 	snop;
	(pc) =	sbr.rel @p0 .LBB2_24-.Ltmp11, $4  }
0xd0: {  	_ = 	snop  }
0xd1: {  	s20 =	sshra.s32 s8, $0x2;
	s8 =	sadd.s32 $0x40, s8  }
0xd2: {  	s6 =	sadd.s32 $0x80, s6;
	s20 =	sadd.s32 s20, s15  }
0xd3: {  	[spmem:s20] =	stream.linear.scatter [tilespmem:s6], [sflag:$0x5], $0x10, $0x38;
	[tilespmem:$0x1F200] =	vst v63  }
0xd4: {  	_ =	swait.ge [sflag:s16], $0x400  }
0xd5: {  	[sflag:s16] =	ssyncset.done $0x0  }
0xd6: {  	[sflag:s16] =	ssyncadd.s32 $0xFFFFFC00  }
0xd7: {  	[bflag:$0x0] =	sbarrier.arrive $0xFFFF  }
0xd8: {  	s6 =	rddreg [dreg:$0x6]  }
0xd9: {  	[tilespmem:s4], [sflag:$0x1] =	stream.linear.gather [hbm4b:s6+s4], $0x80, $0x38;
	[tilespmem:$0x1F200] =	vst v63  }
0xda: {  	s8 =	rddreg [dreg:$0x7]  }
0xdb: {  	[tilespmem:s17], [sflag:$0x1] =	stream.linear.gather [hbm4b:s8+s4], $0x80, $0x38;
	[tilespmem:$0x1F200] =	vst v63  }
0xdc: {  	s20 =	rddreg [dreg:$0x8]  }
0xdd: {  	[tilespmem:s18], [sflag:$0x2] =	stream.linear.gather [hbm4b:s20+s4], $0x80, $0x38;
	[tilespmem:$0x1F200] =	vst v63  }
0xde: {  	s21 =	rddreg [dreg:$0x9]  }
0xdf: {  	[tilespmem:s9], [sflag:$0x2] =	stream.linear.gather [hbm4b:s21+s4], $0x80, $0x38;
	[tilespmem:$0x1F200] =	vst v63  }
0xe0: {  	_ =	swait.ge [sflag:s19], $0x80  }
0xe1: {  	[sflag:s19] =	ssyncset.done $0x0  }
0xe2: {  	[sflag:s19] =	ssyncadd.s32 $0xFFFFFF80  }
0xe3: {  	_ =	swait.ge [sflag:s19], $0x80  }
0xe4: {  	[sflag:s19] =	ssyncset.done $0x0  }
0xe5: {  	[sflag:s19] =	ssyncadd.s32 $0xFFFFFF80  }
0xe6: {  	[tilespmem:s22], [sflag:$0x3] =	stream.indirect.gather [hbm4b:s5+s18], $0x80, s4, s18, $0xb8;
	[tilespmem:$0x1F200] =	vst v63  }
0xe7: {  	_ =	swait.ge [sflag:s24], $0x4000  }
0xe8: {  	[sflag:s24] =	ssyncset.done $0x0  }
0xe9: {  	[sflag:s24] =	ssyncadd.s32 $0xFFFFC000  }
0xea: {  	_ =	swait.ge [sflag:s25], $0x80  }
0xeb: {  	[sflag:s25] =	ssyncset.done $0x0  }
0xec: {  	[sflag:s25] =	ssyncadd.s32 $0xFFFFFF80  }
0xed: {  	_ =	swait.ge [sflag:s25], $0x80  }
0xee: {  	[sflag:s25] =	ssyncset.done $0x0  }
0xef: {  	[sflag:s25] =	ssyncadd.s32 $0xFFFFFF80  }
0xf0: {  	[tilespmem:s26], [sflag:$0x4] =	stream.indirect.gather [hbm4b:s5+s18], $0x80, s18, s18, $0xb8;
	[tilespmem:$0x1F200] =	vst v63  }
0xf1: {  	_ = 	snop  }
0xf2: {  	[spmem:s2] =	stream.indirect.scatter.add.f32 [tilespmem:s22], [sflag:$0x5], $0x80, s17, s18, $0xb8;
	[tilespmem:$0x1F200] =	vst v63  }
0xf3: {  	_ =	swait.ge [sflag:s16], $0x4000  }
0xf4: {  	[sflag:s16] =	ssyncset.done $0x0  }
0xf5: {  	[sflag:s16] =	ssyncadd.s32 $0xFFFFC000  }
0xf6: {  	[spmem:s3] =	stream.indirect.scatter.add.f32 [tilespmem:s28], [sflag:$0x5], $0x10, s17, s18, $0xb8;
	[tilespmem:$0x1F200] =	vst v63  }
0xf7: {  	_ =	swait.ge [sflag:s16], $0x800  }
0xf8: {  	[sflag:s16] =	ssyncset.done $0x0;
	s20 =	rddreg [dreg:$0x14]  }
0xf9: {  	[sflag:s16] =	ssyncadd.s32 $0xFFFFF800;
	s23 =	sadd.s32 $0xFFFFFFF0, s20  }
0xfa: {  	[tilespmem:s4], [sflag:$0x1] =	stream.linear.gather [hbm4b:s23+s4], $0x80, $0x38;
	[tilespmem:$0x1F200] =	vst v63  }
0xfb: {  	s8 =	rddreg [dreg:$0x12]  }
0xfc: {  	[tilespmem:s17], [sflag:$0x1] =	stream.linear.gather [hbm4b:s8+s4], $0x80, $0x38;
	[tilespmem:$0x1F200] =	vst v63  }
0xfd: {  	_ =	swait.ge [sflag:s29], $0x4000  }
0xfe: {  	[sflag:s29] =	ssyncset.done $0x0  }
0xff: {  	[sflag:s29] =	ssyncadd.s32 $0xFFFFC000  }
0x100: {  	_ =	swait.ge [sflag:s19], $0x80  }
0x101: {  	[sflag:s19] =	ssyncset.done $0x0  }
0x102: {  	[sflag:s19] =	ssyncadd.s32 $0xFFFFFF80  }
0x103: {  	_ =	swait.ge [sflag:s19], $0x80  }
0x104: {  	[sflag:s19] =	ssyncset.done $0x0  }
0x105: {  	[sflag:s19] =	ssyncadd.s32 $0xFFFFFF80  }
0x106: {  	[tilespmem:s22], [sflag:$0x3] =	stream.indirect.gather [hbm4b:s5+s18], $0x80, s4, s18, $0xb8;
	[tilespmem:$0x1F200] =	vst v63  }
0x107: {  	_ = 	snop  }
0x108: {  	[spmem:s2] =	stream.indirect.scatter.add.f32 [tilespmem:s26], [sflag:$0x5], $0x80, s9, s18, $0xb8;
	[tilespmem:$0x1F200] =	vst v63  }
0x109: {  	_ =	swait.ge [sflag:s16], $0x4000  }
0x10a: {  	[sflag:s16] =	ssyncset.done $0x0  }
0x10b: {  	[sflag:s16] =	ssyncadd.s32 $0xFFFFC000  }
0x10c: {  	[spmem:s3] =	stream.indirect.scatter.add.f32 [tilespmem:s28], [sflag:$0x5], $0x10, s9, s18, $0xb8;
	[tilespmem:$0x1F200] =	vst v63  }
0x10d: {  	_ =	swait.ge [sflag:s16], $0x800  }
0x10e: {  	s30 =	rddreg [dreg:$0x5]  }
0x10f: {  	p0 =	sne.s32 s30, $0x1  }
.Ltmp12:
0x110: {  	_ = 	snop;
	(pc) =	sbr.rel @!p0 .LBB2_27-.Ltmp12, $4  }
0x111: {  	[sflag:s16] =	ssyncset.done $0x0  }
0x112: {  	s21 =	sadd.s32 $0x20, s20;
	s23 =	rddreg [dreg:$0x11];
	[sflag:s16] =	ssyncadd.s32 $0xFFFFF800  }
0x113: {  	[tilespmem:s18], [sflag:$0x2] =	stream.linear.gather [hbm4b:s20+s4], $0x80, $0x38;
	[tilespmem:$0x1F200] =	vst v63  }
0x114: {  	s8 =	sadd.s32 $0x20, s8;
	s6 =	sadd.s32 $0xFFFFFFFF, s30;
	s20 =	sadd.s32 $0x20, s23  }
.LBB2_26:
0x115: {  	[tilespmem:s9], [sflag:$0x2] =	stream.linear.gather [hbm4b:s23+s4], $0x80, $0x38;
	[tilespmem:$0x1F200] =	vst v63  }
0x116: {  	p0 =	sne.s32 s6, $0x1;
	s6 =	sadd.s32 $0xFFFFFFFF, s6;
	_ =	swait.ge [sflag:s24], $0x4000  }
0x117: {  	s23 =	smov.u32 s20;
	[sflag:s24] =	ssyncset.done $0x0  }
0x118: {  	[sflag:s24] =	ssyncadd.s32 $0xFFFFC000  }
0x119: {  	_ =	swait.ge [sflag:s25], $0x80  }
0x11a: {  	[sflag:s25] =	ssyncset.done $0x0  }
0x11b: {  	[sflag:s25] =	ssyncadd.s32 $0xFFFFFF80  }
0x11c: {  	_ =	swait.ge [sflag:s25], $0x80  }
0x11d: {  	[sflag:s25] =	ssyncset.done $0x0  }
0x11e: {  	[sflag:s25] =	ssyncadd.s32 $0xFFFFFF80  }
0x11f: {  	[tilespmem:s26], [sflag:$0x4] =	stream.indirect.gather [hbm4b:s5+s18], $0x80, s18, s18, $0xb8;
	[tilespmem:$0x1F200] =	vst v63  }
0x120: {  	_ = 	snop  }
0x121: {  	[spmem:s2] =	stream.indirect.scatter.add.f32 [tilespmem:s22], [sflag:$0x5], $0x80, s17, s18, $0xb8;
	[tilespmem:$0x1F200] =	vst v63  }
0x122: {  	_ =	swait.ge [sflag:s16], $0x4000  }
0x123: {  	[sflag:s16] =	ssyncset.done $0x0  }
0x124: {  	[sflag:s16] =	ssyncadd.s32 $0xFFFFC000  }
0x125: {  	[spmem:s3] =	stream.indirect.scatter.add.f32 [tilespmem:s28], [sflag:$0x5], $0x10, s17, s18, $0xb8;
	[tilespmem:$0x1F200] =	vst v63  }
0x126: {  	_ =	swait.ge [sflag:s16], $0x800  }
0x127: {  	[sflag:s16] =	ssyncset.done $0x0  }
0x128: {  	s30 =	sadd.s32 $0xFFFFFFF0, s21;
	[sflag:s16] =	ssyncadd.s32 $0xFFFFF800  }
0x129: {  	[tilespmem:s4], [sflag:$0x1] =	stream.linear.gather [hbm4b:s30+s4], $0x80, $0x38;
	[tilespmem:$0x1F200] =	vst v63  }
0x12a: {  	_ = 	snop  }
0x12b: {  	[tilespmem:s17], [sflag:$0x1] =	stream.linear.gather [hbm4b:s8+s4], $0x80, $0x38;
	[tilespmem:$0x1F200] =	vst v63  }
0x12c: {  	_ =	swait.ge [sflag:s29], $0x4000  }
0x12d: {  	[sflag:s29] =	ssyncset.done $0x0  }
0x12e: {  	[sflag:s29] =	ssyncadd.s32 $0xFFFFC000  }
0x12f: {  	_ =	swait.ge [sflag:s19], $0x80  }
0x130: {  	[sflag:s19] =	ssyncset.done $0x0  }
0x131: {  	[sflag:s19] =	ssyncadd.s32 $0xFFFFFF80  }
0x132: {  	_ =	swait.ge [sflag:s19], $0x80  }
0x133: {  	[sflag:s19] =	ssyncset.done $0x0  }
0x134: {  	[sflag:s19] =	ssyncadd.s32 $0xFFFFFF80  }
0x135: {  	[tilespmem:s22], [sflag:$0x3] =	stream.indirect.gather [hbm4b:s5+s18], $0x80, s4, s18, $0xb8;
	[tilespmem:$0x1F200] =	vst v63  }
0x136: {  	_ = 	snop  }
0x137: {  	[spmem:s2] =	stream.indirect.scatter.add.f32 [tilespmem:s26], [sflag:$0x5], $0x80, s9, s18, $0xb8;
	[tilespmem:$0x1F200] =	vst v63  }
0x138: {  	_ =	swait.ge [sflag:s16], $0x4000  }
0x139: {  	[sflag:s16] =	ssyncset.done $0x0  }
0x13a: {  	[sflag:s16] =	ssyncadd.s32 $0xFFFFC000  }
0x13b: {  	[spmem:s3] =	stream.indirect.scatter.add.f32 [tilespmem:s28], [sflag:$0x5], $0x10, s9, s18, $0xb8;
	[tilespmem:$0x1F200] =	vst v63  }
.Ltmp13:
0x13c: {  	_ =	swait.ge [sflag:s16], $0x800;
	(pc) =	sbr.rel @p0 .LBB2_26-.Ltmp13, $4  }
0x13d: {  	[sflag:s16] =	ssyncset.done $0x0  }
0x13e: {  	[sflag:s16] =	ssyncadd.s32 $0xFFFFF800  }
0x13f: {  	[tilespmem:s18], [sflag:$0x2] =	stream.linear.gather [hbm4b:s21+s4], $0x80, $0x38;
	[tilespmem:$0x1F200] =	vst v63  }
0x140: {  	s20 =	sadd.s32 $0x20, s20;
	s8 =	sadd.s32 $0x20, s8;
	s21 =	sadd.s32 $0x20, s21  }
.LBB2_27:
0x141: {  	[tilespmem:s9], [sflag:$0x2] =	stream.linear.gather [hbm4b:s23+s4], $0x80, $0x38;
	[tilespmem:$0x1F200] =	vst v63  }
0x142: {  	_ =	swait.ge [sflag:s24], $0x4000  }
0x143: {  	[sflag:s24] =	ssyncset.done $0x0  }
0x144: {  	[sflag:s24] =	ssyncadd.s32 $0xFFFFC000  }
0x145: {  	_ =	swait.ge [sflag:s25], $0x80  }
0x146: {  	[sflag:s25] =	ssyncset.done $0x0  }
0x147: {  	[sflag:s25] =	ssyncadd.s32 $0xFFFFFF80  }
0x148: {  	_ =	swait.ge [sflag:s25], $0x80  }
0x149: {  	[sflag:s25] =	ssyncset.done $0x0  }
0x14a: {  	[sflag:s25] =	ssyncadd.s32 $0xFFFFFF80  }
0x14b: {  	[tilespmem:s26], [sflag:$0x4] =	stream.indirect.gather [hbm4b:s5+s18], $0x80, s18, s18, $0xb8;
	[tilespmem:$0x1F200] =	vst v63  }
0x14c: {  	_ = 	snop  }
0x14d: {  	[spmem:s2] =	stream.indirect.scatter.add.f32 [tilespmem:s22], [sflag:$0x5], $0x80, s17, s18, $0xb8;
	[tilespmem:$0x1F200] =	vst v63  }
0x14e: {  	_ =	swait.ge [sflag:s16], $0x4000  }
0x14f: {  	[sflag:s16] =	ssyncset.done $0x0  }
0x150: {  	[sflag:s16] =	ssyncadd.s32 $0xFFFFC000  }
0x151: {  	[spmem:s3] =	stream.indirect.scatter.add.f32 [tilespmem:s28], [sflag:$0x5], $0x10, s17, s18, $0xb8;
	[tilespmem:$0x1F200] =	vst v63  }
0x152: {  	_ =	swait.ge [sflag:s16], $0x800  }
0x153: {  	[sflag:s16] =	ssyncset.done $0x0  }
0x154: {  	[sflag:s16] =	ssyncadd.s32 $0xFFFFF800  }
0x155: {  	_ =	swait.ge [sflag:s29], $0x4000  }
0x156: {  	[sflag:s29] =	ssyncset.done $0x0  }
0x157: {  	[sflag:s29] =	ssyncadd.s32 $0xFFFFC000  }
0x158: {  	[spmem:s2] =	stream.indirect.scatter.add.f32 [tilespmem:s26], [sflag:$0x5], $0x80, s9, s18, $0xb8;
	[tilespmem:$0x1F200] =	vst v63  }
0x159: {  	_ =	swait.ge [sflag:s16], $0x4000  }
0x15a: {  	[sflag:s16] =	ssyncset.done $0x0  }
0x15b: {  	[sflag:s16] =	ssyncadd.s32 $0xFFFFC000  }
0x15c: {  	[spmem:s3] =	stream.indirect.scatter.add.f32 [tilespmem:s28], [sflag:$0x5], $0x10, s9, s18, $0xb8;
	[tilespmem:$0x1F200] =	vst v63  }
0x15d: {  	_ =	swait.ge [sflag:s16], $0x800  }
0x15e: {  	[sflag:s16] =	ssyncset.done $0x0  }
0x15f: {  	[sflag:s16] =	ssyncadd.s32 $0xFFFFF800  }
0x160: {  	s6 =	stileid.u32;
	[bflag:$0x0] =	sbarrier.arrive $0xFFFF  }
0x161: {  	s6 =	sshll.u32 s6, $0x6;
	s8 =	rddreg [dreg:$0xa]  }
0x162: {  	s6 =	sadd.s32 $0x1C05, s6;
	s20 =	rddreg [dreg:$0x15]  }
0x163: {  	[hbm:s8], [sflag:s6] =	dma.local [spmem:s20], $0x2800  }
0x164: {  	_ =	swait.ge [sflag:s16], $0x2800  }
0x165: {  	[sflag:s16] =	ssyncset.done $0x0;
	s20 =	rddreg [dreg:$0xb]  }
0x166: {  	s21 =	rddreg [dreg:$0x16];
	[sflag:s16] =	ssyncadd.s32 $0xFFFFD800  }
0x167: {  	[hbm:s20], [sflag:s6] =	dma.local [spmem:s21], $0x500  }
0x168: {  	_ =	swait.ge [sflag:s16], $0x500  }
0x169: {  	s23 =	rddreg [dreg:$0x1b]  }
0x16a: {  	s30 =	rddreg [dreg:$0xc];
	s8 =	sadd.s32 $0x1, s23  }
0x16b: {  	p0 =	sne.s32 s8, s30  }
.Ltmp14:
0x16c: {  	_ = 	snop;
	(pc) =	sbr.rel @p0 .LBB2_1-.Ltmp14, $3  }
0x16d: {  	_ =	sdelay $0x1  }
0x16e: {  	[sflag:s16] =	ssyncset.done $0x0  }
0x16f: {  	[sflag:s16] =	ssyncadd.s32 $0xFFFFFB00  }
0x170: {  	_ =	sfence.sel $0x180000  }
0x171: {  	[bflag:$0x0] =	sbarrier.arrive $0xFFFF  }
0x172: {  	_ =	strace $0x90000047  }
0x173: {  	s0 =	stileid.u32;
	[bflag:$0x2] =	sbarrier.arrive $0xFFFF  }
0x174: {  	p0 =	sne.s32 s0, $0x0;
	s0 =	rddreg [dreg:$0x3]  }
0x175: {  	s0 =	sadd.s32 @!p0 $0x100000, s0  }
0x176: {  	[sflag:s0] =	ssyncadd.tile.s32 @!p0 $0x1;
	_ =	shalt  }
.Lfunc_end2:
_tile_overlayer_lowered:
.L_overlay_start_2:
0x177: {  	(tag) =	ssettag $0x2  }
0x178: {  	s0 =	rddreg [dreg:$0x0];
	s2 =	stileid.u32  }
0x179: {  	s1 =	rddreg [dreg:$0x1];
	p0 =	sne.s32 s2, $0x0  }
0x17a: {  	s3 =	rddreg [dreg:$0x2];
	[bflag:$0x3] =	sbarrier.arrive $0xFFFF;
	s2 =	simm.s32 @!p0 $0x1C05  }
0x17b: {  	[timem:s3], [sflag:s2] =	dma.local @!p0 [hbm:s0], s1  }
0x17c: {  	s0 =	simm.s32 @!p0 $0x5  }
0x17d: {  	_ =	swait.ge @!p0 [sflag:s0], s1  }
0x17e: {  	s1 =	ssub.s32 @!p0 $0x0, s1;
	[sflag:s0] =	ssyncset.done @!p0 $0x0  }
0x17f: {  	[sflag:s0] =	ssyncadd.s32 @!p0 s1  }
0x180: {  	[bflag:$0x3] =	sbarrier.arrive $0xFFFF  }
0x181: {  	_ =	shalt  }

</sc_bundles>
